<compile_context>
chip_gen: v7x
topology: tpu7x:2x2x1
jax: 0.10.2.dev20260603
libtpu: 0.0.44.dev20260713+nightly
codegen_flags: <defaults>
</compile_context>

<pallas_src>
import functools
import math

import jax
import jax.numpy as jnp
from jax import lax
from jax.experimental import pallas as pl
from jax.experimental.pallas import tpu as pltpu
from jax.experimental.pallas import tpu_sc as plsc

D_MODEL = 64
SEQ_LEN = 2048
BATCH = 4
NC = 2
NS = 16
NW = NC * NS
ROWS_PER_W = (SEQ_LEN * BATCH) // NW
CHUNK = 128
SEQ_PER_W = ROWS_PER_W // BATCH
SEQ_PER_CHUNK = CHUNK // BATCH
LANES = 16
VPD = D_MODEL // LANES
SCALE = math.sqrt(D_MODEL)


def _fma_chunk(buf, out_b, pe_v, pe_off):
    def body(s, carry):
        pvals = [pe_v[pe_off + s, pl.ds(j * LANES, LANES)] for j in range(VPD)]
        for b in range(BATCH):
            r = s * BATCH + b
            for j in range(VPD):
                sl = pl.ds(j * LANES, LANES)
                out_b[r, sl] = buf[r, sl] * SCALE + pvals[j]
        return carry

    lax.fori_loop(0, SEQ_PER_CHUNK, body, 0, unroll=False)


def _emb_body(w_hbm, x_hbm, pe_hbm, out_hbm,
              idx_v, buf0, buf1, out0, out1, pe_v, sem0, sem1, sem2):
    wid = lax.axis_index("s") * NC + lax.axis_index("c")
    base = wid * ROWS_PER_W

    pltpu.sync_copy(x_hbm.at[pl.ds(base, ROWS_PER_W)], idx_v)
    g0 = pltpu.async_copy(w_hbm.at[idx_v.at[pl.ds(0, CHUNK)]], buf0, sem0)
    g1 = pltpu.async_copy(w_hbm.at[idx_v.at[pl.ds(CHUNK, CHUNK)]], buf1, sem1)
    pltpu.sync_copy(pe_hbm.at[pl.ds(wid * SEQ_PER_W, SEQ_PER_W)], pe_v)

    g0.wait()
    _fma_chunk(buf0, out0, pe_v, 0)
    st0 = pltpu.async_copy(out0, out_hbm.at[pl.ds(base, CHUNK)], sem2)
    g1.wait()
    _fma_chunk(buf1, out1, pe_v, SEQ_PER_CHUNK)
    pltpu.sync_copy(out1, out_hbm.at[pl.ds(base + CHUNK, CHUNK)])
    st0.wait()


_emb_lookup = functools.partial(
    pl.kernel,
    out_type=jax.ShapeDtypeStruct((SEQ_LEN * BATCH, D_MODEL), jnp.float32),
    mesh=plsc.VectorSubcoreMesh(core_axis_name="c", subcore_axis_name="s"),
    scratch_types=[
        pltpu.VMEM((ROWS_PER_W,), jnp.int32),
        pltpu.VMEM((CHUNK, 2 * D_MODEL), jnp.float32),
        pltpu.VMEM((CHUNK, 2 * D_MODEL), jnp.float32),
        pltpu.VMEM((CHUNK, D_MODEL), jnp.float32),
        pltpu.VMEM((CHUNK, D_MODEL), jnp.float32),
        pltpu.VMEM((SEQ_PER_W, D_MODEL), jnp.float32),
        pltpu.SemaphoreType.DMA,
        pltpu.SemaphoreType.DMA,
        pltpu.SemaphoreType.DMA,
    ],
)(_emb_body)


_VBLK = 512


def _relayout_body(in_ref, o_ref):
    t = in_ref[...].T
    o_ref[:, 0:D_MODEL] = t
    o_ref[:, D_MODEL:2 * D_MODEL] = t


def _tc_relayout(wt):
    n = wt.shape[1]
    grid = (n + _VBLK - 1) // _VBLK
    return pl.pallas_call(
        _relayout_body,
        grid=(grid,),
        in_specs=[pl.BlockSpec((D_MODEL, _VBLK), lambda i: (0, i))],
        out_specs=pl.BlockSpec((_VBLK, 2 * D_MODEL), lambda i: (i, 0)),
        out_shape=jax.ShapeDtypeStruct((n, 2 * D_MODEL), jnp.float32),
    )(wt)


@jax.jit
def kernel(x, weight, pe):
    s, b = x.shape
    d = weight.shape[1]
    wpad = _tc_relayout(weight.T)
    x1d = x.reshape(-1).astype(jnp.int32)
    pe2d = pe[:s, 0, :]
    out = _emb_lookup(wpad, x1d, pe2d)
    return out.reshape(s, b, d)

# --- scband reference (transcript-rebuilt; emitter-appended) ---
"""Pipeline reference for scband-positional-embedding-81690277970430 (READ-ONLY COPY).

The authoritative reference and input builder live on the scoring server;
editing this copy changes nothing except your own understanding.
"""

import math
import jax
import jax.numpy as jnp
import numpy as np

D_MODEL = 64
N_VOCAB = 1000000
MAX_LEN = 5000
SEQ_LEN = 2048
BATCH = 4


def positional_encoding(d_model, max_len):
    position = np.arange(max_len, dtype=np.float32)[:, None]
    div_term = np.exp(np.arange(0, d_model, 2, dtype=np.float32) * (-math.log(10000.0) / d_model))
    pe = np.zeros((max_len, 1, d_model), dtype=np.float32)
    pe[:, 0, 0::2] = np.sin(position * div_term)
    pe[:, 0, 1::2] = np.cos(position * div_term)
    return jnp.asarray(pe)


def setup_inputs(seed: int = 0) -> dict:
    key = jax.random.key(seed)
    k1, k2 = jax.random.split(key)
    x = jax.random.randint(k1, (SEQ_LEN, BATCH), 0, N_VOCAB)
    # learned embedding table (nn.Embedding weight), init ~ N(0,1) like torch default
    weight = jax.random.normal(k2, (N_VOCAB, D_MODEL), dtype=jnp.float32)
    pe = positional_encoding(D_MODEL, MAX_LEN)
    return {"x": x, "weight": weight, "pe": pe}


def reference(x, weight, pe):
    d_model = weight.shape[1]
    emb = jnp.take(weight, x, axis=0)  # [S, B, d_model]
    out = emb * math.sqrt(d_model) + pe[: x.shape[0]]  # pe[:S] is [S,1,d], broadcasts over batch
    return out

if __name__ == "__main__":
    import jax
    _d = setup_inputs()
    print(jax.jit(kernel)(*tuple(_d.values())))

</pallas_src>

<mosaic_0001>
#map = affine_map<(d0, d1) -> (0, 0)>
#map1 = affine_map<(d0, d1) -> (0)>
module attributes {stable_mosaic.version = 14 : i64} {
  func.func @_emb_body(%arg0: i32, %arg1: i32, %arg2: memref<1000000x128xf32, #tpu.memory_space<hbm>>, %arg3: memref<8192xi32, #tpu.memory_space<hbm>>, %arg4: memref<2048x64xf32, #tpu.memory_space<hbm>>, %arg5: memref<8192x64xf32, #tpu.memory_space<hbm>>, %arg6: memref<256xi32, #tpu.memory_space<vmem>>, %arg7: memref<128x128xf32, #tpu.memory_space<vmem>>, %arg8: memref<128x128xf32, #tpu.memory_space<vmem>>, %arg9: memref<128x64xf32, #tpu.memory_space<vmem>>, %arg10: memref<128x64xf32, #tpu.memory_space<vmem>>, %arg11: memref<64x64xf32, #tpu.memory_space<vmem>>, %arg12: memref<!tpu.dma_semaphore, #tpu.memory_space<semaphore_mem>>, %arg13: memref<!tpu.dma_semaphore, #tpu.memory_space<semaphore_mem>>, %arg14: memref<!tpu.dma_semaphore, #tpu.memory_space<semaphore_mem>>) attributes {dimension_semantics = [#tpu.dimension_semantics<core_parallel>, #tpu.dimension_semantics<subcore_parallel>], iteration_bounds = array<i64: 2, 16>, scalar_prefetch = 0 : i64, scratch_operands = 9 : i64, tpu.core_type = #tpu.core_type<sc_vector_subcore>, window_params = [{transform_indices = #map}, {transform_indices = #map1}, {transform_indices = #map}, {transform_indices = #map}]} {
    %mul3A = arith.constant 2 : i32
    %mul3A_0 = arith.muli %arg1, %mul3A : i32
    %add3A = arith.addi %mul3A_0, %arg0 : i32
    %mul3A_1 = arith.constant 256 : i32
    %mul3A_2 = arith.muli %add3A, %mul3A_1 : i32
    "tpu.region"() ({
      %run_scoped3A = tpu.sem_alloc : memref<!tpu.dma_semaphore, #tpu.memory_space<semaphore_mem>>
      %dma_start3A_44 = tpu.memref_slice %arg3[%mul3A_2] : memref<8192xi32, #tpu.memory_space<hbm>> -> memref<256xi32, #tpu.memory_space<hbm>>
      %dma_start3A_45 = tpu.memref_slice %arg3[%mul3A_2] : memref<8192xi32, #tpu.memory_space<hbm>> -> memref<256xi32, #tpu.memory_space<hbm>>
      tpu.enqueue_dma source(%dma_start3A_45 : memref<256xi32, #tpu.memory_space<hbm>>) target(%arg6 : memref<256xi32, #tpu.memory_space<vmem>>) target_semaphore(%run_scoped3A : memref<!tpu.dma_semaphore, #tpu.memory_space<semaphore_mem>>)
      %dma_wait3A_46 = tpu.memref_slice %arg3[%mul3A_2] : memref<8192xi32, #tpu.memory_space<hbm>> -> memref<256xi32, #tpu.memory_space<hbm>>
      %dma_wait3A_47 = tpu.memref_slice %arg3[%mul3A_2] : memref<8192xi32, #tpu.memory_space<hbm>> -> memref<256xi32, #tpu.memory_space<hbm>>
      tpu.wait_dma2 semaphore(%run_scoped3A : memref<!tpu.dma_semaphore, #tpu.memory_space<semaphore_mem>>) src(%dma_wait3A_47 : memref<256xi32, #tpu.memory_space<hbm>>) dst(%arg6 : memref<256xi32, #tpu.memory_space<vmem>>)
      tpu.yield
    }) : () -> ()
    %dma_start3A = arith.constant 0 : i32
    %dma_start3A_3 = tpu.memref_slice %arg6[%dma_start3A] : memref<256xi32, #tpu.memory_space<vmem>> -> memref<128xi32, #tpu.memory_space<vmem>>
    %dma_start3A_4 = arith.constant 0 : i32
    %dma_start3A_5 = arith.constant 0 : i32
    %dma_start3A_6 = tpu.memref_slice %arg2[%dma_start3A_4, %dma_start3A_5] : memref<1000000x128xf32, #tpu.memory_space<hbm>> -> memref<1000000x128xf32, #tpu.memory_space<hbm>>
    tpu.enqueue_indirect_dma source(%dma_start3A_6 : memref<1000000x128xf32, #tpu.memory_space<hbm>>) target(%arg7 : memref<128x128xf32, #tpu.memory_space<vmem>>) offsets(%dma_start3A_3 : memref<128xi32, #tpu.memory_space<vmem>>) semaphore(%arg12 : memref<!tpu.dma_semaphore, #tpu.memory_space<semaphore_mem>>)
    %dma_start3A_7 = arith.constant 128 : i32
    %dma_start3A_8 = tpu.memref_slice %arg6[%dma_start3A_7] : memref<256xi32, #tpu.memory_space<vmem>> -> memref<128xi32, #tpu.memory_space<vmem>>
    %dma_start3A_9 = arith.constant 0 : i32
    %dma_start3A_10 = arith.constant 0 : i32
    %dma_start3A_11 = tpu.memref_slice %arg2[%dma_start3A_9, %dma_start3A_10] : memref<1000000x128xf32, #tpu.memory_space<hbm>> -> memref<1000000x128xf32, #tpu.memory_space<hbm>>
    tpu.enqueue_indirect_dma source(%dma_start3A_11 : memref<1000000x128xf32, #tpu.memory_space<hbm>>) target(%arg8 : memref<128x128xf32, #tpu.memory_space<vmem>>) offsets(%dma_start3A_8 : memref<128xi32, #tpu.memory_space<vmem>>) semaphore(%arg13 : memref<!tpu.dma_semaphore, #tpu.memory_space<semaphore_mem>>)
    %mul3A_12 = arith.constant 64 : i32
    %mul3A_13 = arith.muli %add3A, %mul3A_12 : i32
    "tpu.region"() ({
      %run_scoped3A = tpu.sem_alloc : memref<!tpu.dma_semaphore, #tpu.memory_space<semaphore_mem>>
      %dma_start3A_44 = arith.constant 0 : i32
      %dma_start3A_45 = tpu.memref_slice %arg4[%mul3A_13, %dma_start3A_44] : memref<2048x64xf32, #tpu.memory_space<hbm>> -> memref<64x64xf32, #tpu.memory_space<hbm>>
      %dma_start3A_46 = arith.constant 0 : i32
      %dma_start3A_47 = tpu.memref_slice %arg4[%mul3A_13, %dma_start3A_46] : memref<2048x64xf32, #tpu.memory_space<hbm>> -> memref<64x64xf32, #tpu.memory_space<hbm>>
      tpu.enqueue_dma source(%dma_start3A_47 : memref<64x64xf32, #tpu.memory_space<hbm>>) target(%arg11 : memref<64x64xf32, #tpu.memory_space<vmem>>) target_semaphore(%run_scoped3A : memref<!tpu.dma_semaphore, #tpu.memory_space<semaphore_mem>>)
      %dma_wait3A_48 = arith.constant 0 : i32
      %dma_wait3A_49 = tpu.memref_slice %arg4[%mul3A_13, %dma_wait3A_48] : memref<2048x64xf32, #tpu.memory_space<hbm>> -> memref<64x64xf32, #tpu.memory_space<hbm>>
      %dma_wait3A_50 = arith.constant 0 : i32
      %dma_wait3A_51 = tpu.memref_slice %arg4[%mul3A_13, %dma_wait3A_50] : memref<2048x64xf32, #tpu.memory_space<hbm>> -> memref<64x64xf32, #tpu.memory_space<hbm>>
      tpu.wait_dma2 semaphore(%run_scoped3A : memref<!tpu.dma_semaphore, #tpu.memory_space<semaphore_mem>>) src(%dma_wait3A_51 : memref<64x64xf32, #tpu.memory_space<hbm>>) dst(%arg11 : memref<64x64xf32, #tpu.memory_space<vmem>>)
      tpu.yield
    }) : () -> ()
    %dma_wait3A = arith.constant 0 : i32
    %dma_wait3A_14 = tpu.memref_slice %arg6[%dma_wait3A] : memref<256xi32, #tpu.memory_space<vmem>> -> memref<128xi32, #tpu.memory_space<vmem>>
    %dma_wait3A_15 = arith.constant 0 : i32
    %dma_wait3A_16 = arith.constant 0 : i32
    %dma_wait3A_17 = tpu.memref_slice %arg2[%dma_wait3A_15, %dma_wait3A_16] : memref<1000000x128xf32, #tpu.memory_space<hbm>> -> memref<1000000x128xf32, #tpu.memory_space<hbm>>
    tpu.wait_indirect_dma semaphore(%arg12 : memref<!tpu.dma_semaphore, #tpu.memory_space<semaphore_mem>>) src(%dma_wait3A_17 : memref<1000000x128xf32, #tpu.memory_space<hbm>>) dst(%arg7 : memref<128x128xf32, #tpu.memory_space<vmem>>)
    %scan3A = arith.constant 0 : i32
    %scan3A_18 = arith.constant 0 : i32
    %scan3A_19 = arith.constant 32 : i32
    %scan3A_20 = arith.addi %scan3A_18, %scan3A_19 : i32
    %scan3A_21 = arith.constant 1 : i32
    scf.for %scan3A_44 = %scan3A_18 to %scan3A_20 step %scan3A_21  : i32 {
      %add3A_45 = arith.constant 0 : i32
      %add3A_46 = arith.addi %add3A_45, %scan3A_44 : i32
      %get3A = arith.index_cast %add3A_46 : i32 to index
      %get3A_47 = arith.constant 0 : index
      %get3A_48 = tpu.vector_load %arg11[%get3A, %get3A_47] {strides = array<i32>} : memref<64x64xf32, #tpu.memory_space<vmem>>, vector<1x16xf32>,
      %get3A_49 = vector.shape_cast %get3A_48 : vector<1x16xf32> to vector<16xf32>
      %add3A_50 = arith.constant 0 : i32
      %add3A_51 = arith.addi %add3A_50, %scan3A_44 : i32
      %get3A_52 = arith.index_cast %add3A_51 : i32 to index
      %get3A_53 = arith.constant 16 : index
      %get3A_54 = tpu.vector_load %arg11[%get3A_52, %get3A_53] {strides = array<i32>} : memref<64x64xf32, #tpu.memory_space<vmem>>, vector<1x16xf32>,
      %get3A_55 = vector.shape_cast %get3A_54 : vector<1x16xf32> to vector<16xf32>
      %add3A_56 = arith.constant 0 : i32
      %add3A_57 = arith.addi %add3A_56, %scan3A_44 : i32
      %get3A_58 = arith.index_cast %add3A_57 : i32 to index
      %get3A_59 = arith.constant 32 : index
      %get3A_60 = tpu.vector_load %arg11[%get3A_58, %get3A_59] {strides = array<i32>} : memref<64x64xf32, #tpu.memory_space<vmem>>, vector<1x16xf32>,
      %get3A_61 = vector.shape_cast %get3A_60 : vector<1x16xf32> to vector<16xf32>
      %add3A_62 = arith.constant 0 : i32
      %add3A_63 = arith.addi %add3A_62, %scan3A_44 : i32
      %get3A_64 = arith.index_cast %add3A_63 : i32 to index
      %get3A_65 = arith.constant 48 : index
      %get3A_66 = tpu.vector_load %arg11[%get3A_64, %get3A_65] {strides = array<i32>} : memref<64x64xf32, #tpu.memory_space<vmem>>, vector<1x16xf32>,
      %get3A_67 = vector.shape_cast %get3A_66 : vector<1x16xf32> to vector<16xf32>
      %mul3A_68 = arith.constant 4 : i32
      %mul3A_69 = arith.muli %scan3A_44, %mul3A_68 : i32
      %add3A_70 = arith.constant 0 : i32
      %add3A_71 = arith.addi %mul3A_69, %add3A_70 : i32
      %get3A_72 = arith.index_cast %add3A_71 : i32 to index
      %get3A_73 = arith.constant 0 : index
      %get3A_74 = tpu.vector_load %arg7[%get3A_72, %get3A_73] {strides = array<i32>} : memref<128x128xf32, #tpu.memory_space<vmem>>, vector<1x16xf32>,
      %get3A_75 = vector.shape_cast %get3A_74 : vector<1x16xf32> to vector<16xf32>
      %mul3A_76 = arith.constant 8.000000e+00 : f32
      %mul3A_77 = vector.broadcast %mul3A_76 : f32 to vector<16xf32>
      %mul3A_78 = arith.mulf %get3A_75, %mul3A_77 : vector<16xf32>
      %add3A_79 = arith.addf %mul3A_78, %get3A_49 : vector<16xf32>
      %swap3A = arith.index_cast %add3A_71 : i32 to index
      %swap3A_80 = arith.constant 0 : index
      %swap3A_81 = tpu.vector_load %arg9[%swap3A, %swap3A_80] {strides = array<i32>} : memref<128x64xf32, #tpu.memory_space<vmem>>, vector<1x16xf32>,
      %swap3A_82 = vector.shape_cast %swap3A_81 : vector<1x16xf32> to vector<16xf32>
      %swap3A_83 = vector.shape_cast %add3A_79 : vector<16xf32> to vector<1x16xf32>
      tpu.vector_store %arg9[%swap3A, %swap3A_80], %swap3A_83 {strides = array<i32>} : memref<128x64xf32, #tpu.memory_space<vmem>>, vector<1x16xf32>,
      %get3A_84 = arith.index_cast %add3A_71 : i32 to index
      %get3A_85 = arith.constant 16 : index
      %get3A_86 = tpu.vector_load %arg7[%get3A_84, %get3A_85] {strides = array<i32>} : memref<128x128xf32, #tpu.memory_space<vmem>>, vector<1x16xf32>,
      %get3A_87 = vector.shape_cast %get3A_86 : vector<1x16xf32> to vector<16xf32>
      %mul3A_88 = arith.constant 8.000000e+00 : f32
      %mul3A_89 = vector.broadcast %mul3A_88 : f32 to vector<16xf32>
      %mul3A_90 = arith.mulf %get3A_87, %mul3A_89 : vector<16xf32>
      %add3A_91 = arith.addf %mul3A_90, %get3A_55 : vector<16xf32>
      %swap3A_92 = arith.index_cast %add3A_71 : i32 to index
      %swap3A_93 = arith.constant 16 : index
      %swap3A_94 = tpu.vector_load %arg9[%swap3A_92, %swap3A_93] {strides = array<i32>} : memref<128x64xf32, #tpu.memory_space<vmem>>, vector<1x16xf32>,
      %swap3A_95 = vector.shape_cast %swap3A_94 : vector<1x16xf32> to vector<16xf32>
      %swap3A_96 = vector.shape_cast %add3A_91 : vector<16xf32> to vector<1x16xf32>
      tpu.vector_store %arg9[%swap3A_92, %swap3A_93], %swap3A_96 {strides = array<i32>} : memref<128x64xf32, #tpu.memory_space<vmem>>, vector<1x16xf32>,
      %get3A_97 = arith.index_cast %add3A_71 : i32 to index
      %get3A_98 = arith.constant 32 : index
      %get3A_99 = tpu.vector_load %arg7[%get3A_97, %get3A_98] {strides = array<i32>} : memref<128x128xf32, #tpu.memory_space<vmem>>, vector<1x16xf32>,
      %get3A_100 = vector.shape_cast %get3A_99 : vector<1x16xf32> to vector<16xf32>
      %mul3A_101 = arith.constant 8.000000e+00 : f32
      %mul3A_102 = vector.broadcast %mul3A_101 : f32 to vector<16xf32>
      %mul3A_103 = arith.mulf %get3A_100, %mul3A_102 : vector<16xf32>
      %add3A_104 = arith.addf %mul3A_103, %get3A_61 : vector<16xf32>
      %swap3A_105 = arith.index_cast %add3A_71 : i32 to index
      %swap3A_106 = arith.constant 32 : index
      %swap3A_107 = tpu.vector_load %arg9[%swap3A_105, %swap3A_106] {strides = array<i32>} : memref<128x64xf32, #tpu.memory_space<vmem>>, vector<1x16xf32>,
      %swap3A_108 = vector.shape_cast %swap3A_107 : vector<1x16xf32> to vector<16xf32>
      %swap3A_109 = vector.shape_cast %add3A_104 : vector<16xf32> to vector<1x16xf32>
      tpu.vector_store %arg9[%swap3A_105, %swap3A_106], %swap3A_109 {strides = array<i32>} : memref<128x64xf32, #tpu.memory_space<vmem>>, vector<1x16xf32>,
      %get3A_110 = arith.index_cast %add3A_71 : i32 to index
      %get3A_111 = arith.constant 48 : index
      %get3A_112 = tpu.vector_load %arg7[%get3A_110, %get3A_111] {strides = array<i32>} : memref<128x128xf32, #tpu.memory_space<vmem>>, vector<1x16xf32>,
      %get3A_113 = vector.shape_cast %get3A_112 : vector<1x16xf32> to vector<16xf32>
      %mul3A_114 = arith.constant 8.000000e+00 : f32
      %mul3A_115 = vector.broadcast %mul3A_114 : f32 to vector<16xf32>
      %mul3A_116 = arith.mulf %get3A_113, %mul3A_115 : vector<16xf32>
      %add3A_117 = arith.addf %mul3A_116, %get3A_67 : vector<16xf32>
      %swap3A_118 = arith.index_cast %add3A_71 : i32 to index
      %swap3A_119 = arith.constant 48 : index
      %swap3A_120 = tpu.vector_load %arg9[%swap3A_118, %swap3A_119] {strides = array<i32>} : memref<128x64xf32, #tpu.memory_space<vmem>>, vector<1x16xf32>,
      %swap3A_121 = vector.shape_cast %swap3A_120 : vector<1x16xf32> to vector<16xf32>
      %swap3A_122 = vector.shape_cast %add3A_117 : vector<16xf32> to vector<1x16xf32>
      tpu.vector_store %arg9[%swap3A_118, %swap3A_119], %swap3A_122 {strides = array<i32>} : memref<128x64xf32, #tpu.memory_space<vmem>>, vector<1x16xf32>,
      %mul3A_123 = arith.constant 4 : i32
      %mul3A_124 = arith.muli %scan3A_44, %mul3A_123 : i32
      %add3A_125 = arith.constant 1 : i32
      %add3A_126 = arith.addi %mul3A_124, %add3A_125 : i32
      %get3A_127 = arith.index_cast %add3A_126 : i32 to index
      %get3A_128 = arith.constant 0 : index
      %get3A_129 = tpu.vector_load %arg7[%get3A_127, %get3A_128] {strides = array<i32>} : memref<128x128xf32, #tpu.memory_space<vmem>>, vector<1x16xf32>,
      %get3A_130 = vector.shape_cast %get3A_129 : vector<1x16xf32> to vector<16xf32>
      %mul3A_131 = arith.constant 8.000000e+00 : f32
      %mul3A_132 = vector.broadcast %mul3A_131 : f32 to vector<16xf32>
      %mul3A_133 = arith.mulf %get3A_130, %mul3A_132 : vector<16xf32>
      %add3A_134 = arith.addf %mul3A_133, %get3A_49 : vector<16xf32>
      %swap3A_135 = arith.index_cast %add3A_126 : i32 to index
      %swap3A_136 = arith.constant 0 : index
      %swap3A_137 = tpu.vector_load %arg9[%swap3A_135, %swap3A_136] {strides = array<i32>} : memref<128x64xf32, #tpu.memory_space<vmem>>, vector<1x16xf32>,
      %swap3A_138 = vector.shape_cast %swap3A_137 : vector<1x16xf32> to vector<16xf32>
      %swap3A_139 = vector.shape_cast %add3A_134 : vector<16xf32> to vector<1x16xf32>
      tpu.vector_store %arg9[%swap3A_135, %swap3A_136], %swap3A_139 {strides = array<i32>} : memref<128x64xf32, #tpu.memory_space<vmem>>, vector<1x16xf32>,
      %get3A_140 = arith.index_cast %add3A_126 : i32 to index
      %get3A_141 = arith.constant 16 : index
      %get3A_142 = tpu.vector_load %arg7[%get3A_140, %get3A_141] {strides = array<i32>} : memref<128x128xf32, #tpu.memory_space<vmem>>, vector<1x16xf32>,
      %get3A_143 = vector.shape_cast %get3A_142 : vector<1x16xf32> to vector<16xf32>
      %mul3A_144 = arith.constant 8.000000e+00 : f32
      %mul3A_145 = vector.broadcast %mul3A_144 : f32 to vector<16xf32>
      %mul3A_146 = arith.mulf %get3A_143, %mul3A_145 : vector<16xf32>
      %add3A_147 = arith.addf %mul3A_146, %get3A_55 : vector<16xf32>
      %swap3A_148 = arith.index_cast %add3A_126 : i32 to index
      %swap3A_149 = arith.constant 16 : index
      %swap3A_150 = tpu.vector_load %arg9[%swap3A_148, %swap3A_149] {strides = array<i32>} : memref<128x64xf32, #tpu.memory_space<vmem>>, vector<1x16xf32>,
      %swap3A_151 = vector.shape_cast %swap3A_150 : vector<1x16xf32> to vector<16xf32>
      %swap3A_152 = vector.shape_cast %add3A_147 : vector<16xf32> to vector<1x16xf32>
      tpu.vector_store %arg9[%swap3A_148, %swap3A_149], %swap3A_152 {strides = array<i32>} : memref<128x64xf32, #tpu.memory_space<vmem>>, vector<1x16xf32>,
      %get3A_153 = arith.index_cast %add3A_126 : i32 to index
      %get3A_154 = arith.constant 32 : index
      %get3A_155 = tpu.vector_load %arg7[%get3A_153, %get3A_154] {strides = array<i32>} : memref<128x128xf32, #tpu.memory_space<vmem>>, vector<1x16xf32>,
      %get3A_156 = vector.shape_cast %get3A_155 : vector<1x16xf32> to vector<16xf32>
      %mul3A_157 = arith.constant 8.000000e+00 : f32
      %mul3A_158 = vector.broadcast %mul3A_157 : f32 to vector<16xf32>
      %mul3A_159 = arith.mulf %get3A_156, %mul3A_158 : vector<16xf32>
      %add3A_160 = arith.addf %mul3A_159, %get3A_61 : vector<16xf32>
      %swap3A_161 = arith.index_cast %add3A_126 : i32 to index
      %swap3A_162 = arith.constant 32 : index
      %swap3A_163 = tpu.vector_load %arg9[%swap3A_161, %swap3A_162] {strides = array<i32>} : memref<128x64xf32, #tpu.memory_space<vmem>>, vector<1x16xf32>,
      %swap3A_164 = vector.shape_cast %swap3A_163 : vector<1x16xf32> to vector<16xf32>
      %swap3A_165 = vector.shape_cast %add3A_160 : vector<16xf32> to vector<1x16xf32>
      tpu.vector_store %arg9[%swap3A_161, %swap3A_162], %swap3A_165 {strides = array<i32>} : memref<128x64xf32, #tpu.memory_space<vmem>>, vector<1x16xf32>,
      %get3A_166 = arith.index_cast %add3A_126 : i32 to index
      %get3A_167 = arith.constant 48 : index
      %get3A_168 = tpu.vector_load %arg7[%get3A_166, %get3A_167] {strides = array<i32>} : memref<128x128xf32, #tpu.memory_space<vmem>>, vector<1x16xf32>,
      %get3A_169 = vector.shape_cast %get3A_168 : vector<1x16xf32> to vector<16xf32>
      %mul3A_170 = arith.constant 8.000000e+00 : f32
      %mul3A_171 = vector.broadcast %mul3A_170 : f32 to vector<16xf32>
      %mul3A_172 = arith.mulf %get3A_169, %mul3A_171 : vector<16xf32>
      %add3A_173 = arith.addf %mul3A_172, %get3A_67 : vector<16xf32>
      %swap3A_174 = arith.index_cast %add3A_126 : i32 to index
      %swap3A_175 = arith.constant 48 : index
      %swap3A_176 = tpu.vector_load %arg9[%swap3A_174, %swap3A_175] {strides = array<i32>} : memref<128x64xf32, #tpu.memory_space<vmem>>, vector<1x16xf32>,
      %swap3A_177 = vector.shape_cast %swap3A_176 : vector<1x16xf32> to vector<16xf32>
      %swap3A_178 = vector.shape_cast %add3A_173 : vector<16xf32> to vector<1x16xf32>
      tpu.vector_store %arg9[%swap3A_174, %swap3A_175], %swap3A_178 {strides = array<i32>} : memref<128x64xf32, #tpu.memory_space<vmem>>, vector<1x16xf32>,
      %mul3A_179 = arith.constant 4 : i32
      %mul3A_180 = arith.muli %scan3A_44, %mul3A_179 : i32
      %add3A_181 = arith.constant 2 : i32
      %add3A_182 = arith.addi %mul3A_180, %add3A_181 : i32
      %get3A_183 = arith.index_cast %add3A_182 : i32 to index
      %get3A_184 = arith.constant 0 : index
      %get3A_185 = tpu.vector_load %arg7[%get3A_183, %get3A_184] {strides = array<i32>} : memref<128x128xf32, #tpu.memory_space<vmem>>, vector<1x16xf32>,
      %get3A_186 = vector.shape_cast %get3A_185 : vector<1x16xf32> to vector<16xf32>
      %mul3A_187 = arith.constant 8.000000e+00 : f32
      %mul3A_188 = vector.broadcast %mul3A_187 : f32 to vector<16xf32>
      %mul3A_189 = arith.mulf %get3A_186, %mul3A_188 : vector<16xf32>
      %add3A_190 = arith.addf %mul3A_189, %get3A_49 : vector<16xf32>
      %swap3A_191 = arith.index_cast %add3A_182 : i32 to index
      %swap3A_192 = arith.constant 0 : index
      %swap3A_193 = tpu.vector_load %arg9[%swap3A_191, %swap3A_192] {strides = array<i32>} : memref<128x64xf32, #tpu.memory_space<vmem>>, vector<1x16xf32>,
      %swap3A_194 = vector.shape_cast %swap3A_193 : vector<1x16xf32> to vector<16xf32>
      %swap3A_195 = vector.shape_cast %add3A_190 : vector<16xf32> to vector<1x16xf32>
      tpu.vector_store %arg9[%swap3A_191, %swap3A_192], %swap3A_195 {strides = array<i32>} : memref<128x64xf32, #tpu.memory_space<vmem>>, vector<1x16xf32>,
      %get3A_196 = arith.index_cast %add3A_182 : i32 to index
      %get3A_197 = arith.constant 16 : index
      %get3A_198 = tpu.vector_load %arg7[%get3A_196, %get3A_197] {strides = array<i32>} : memref<128x128xf32, #tpu.memory_space<vmem>>, vector<1x16xf32>,
      %get3A_199 = vector.shape_cast %get3A_198 : vector<1x16xf32> to vector<16xf32>
      %mul3A_200 = arith.constant 8.000000e+00 : f32
      %mul3A_201 = vector.broadcast %mul3A_200 : f32 to vector<16xf32>
      %mul3A_202 = arith.mulf %get3A_199, %mul3A_201 : vector<16xf32>
      %add3A_203 = arith.addf %mul3A_202, %get3A_55 : vector<16xf32>
      %swap3A_204 = arith.index_cast %add3A_182 : i32 to index
      %swap3A_205 = arith.constant 16 : index
      %swap3A_206 = tpu.vector_load %arg9[%swap3A_204, %swap3A_205] {strides = array<i32>} : memref<128x64xf32, #tpu.memory_space<vmem>>, vector<1x16xf32>,
      %swap3A_207 = vector.shape_cast %swap3A_206 : vector<1x16xf32> to vector<16xf32>
      %swap3A_208 = vector.shape_cast %add3A_203 : vector<16xf32> to vector<1x16xf32>
      tpu.vector_store %arg9[%swap3A_204, %swap3A_205], %swap3A_208 {strides = array<i32>} : memref<128x64xf32, #tpu.memory_space<vmem>>, vector<1x16xf32>,
      %get3A_209 = arith.index_cast %add3A_182 : i32 to index
      %get3A_210 = arith.constant 32 : index
      %get3A_211 = tpu.vector_load %arg7[%get3A_209, %get3A_210] {strides = array<i32>} : memref<128x128xf32, #tpu.memory_space<vmem>>, vector<1x16xf32>,
      %get3A_212 = vector.shape_cast %get3A_211 : vector<1x16xf32> to vector<16xf32>
      %mul3A_213 = arith.constant 8.000000e+00 : f32
      %mul3A_214 = vector.broadcast %mul3A_213 : f32 to vector<16xf32>
      %mul3A_215 = arith.mulf %get3A_212, %mul3A_214 : vector<16xf32>
      %add3A_216 = arith.addf %mul3A_215, %get3A_61 : vector<16xf32>
      %swap3A_217 = arith.index_cast %add3A_182 : i32 to index
      %swap3A_218 = arith.constant 32 : index
      %swap3A_219 = tpu.vector_load %arg9[%swap3A_217, %swap3A_218] {strides = array<i32>} : memref<128x64xf32, #tpu.memory_space<vmem>>, vector<1x16xf32>,
      %swap3A_220 = vector.shape_cast %swap3A_219 : vector<1x16xf32> to vector<16xf32>
      %swap3A_221 = vector.shape_cast %add3A_216 : vector<16xf32> to vector<1x16xf32>
      tpu.vector_store %arg9[%swap3A_217, %swap3A_218], %swap3A_221 {strides = array<i32>} : memref<128x64xf32, #tpu.memory_space<vmem>>, vector<1x16xf32>,
      %get3A_222 = arith.index_cast %add3A_182 : i32 to index
      %get3A_223 = arith.constant 48 : index
      %get3A_224 = tpu.vector_load %arg7[%get3A_222, %get3A_223] {strides = array<i32>} : memref<128x128xf32, #tpu.memory_space<vmem>>, vector<1x16xf32>,
      %get3A_225 = vector.shape_cast %get3A_224 : vector<1x16xf32> to vector<16xf32>
      %mul3A_226 = arith.constant 8.000000e+00 : f32
      %mul3A_227 = vector.broadcast %mul3A_226 : f32 to vector<16xf32>
      %mul3A_228 = arith.mulf %get3A_225, %mul3A_227 : vector<16xf32>
      %add3A_229 = arith.addf %mul3A_228, %get3A_67 : vector<16xf32>
      %swap3A_230 = arith.index_cast %add3A_182 : i32 to index
      %swap3A_231 = arith.constant 48 : index
      %swap3A_232 = tpu.vector_load %arg9[%swap3A_230, %swap3A_231] {strides = array<i32>} : memref<128x64xf32, #tpu.memory_space<vmem>>, vector<1x16xf32>,
      %swap3A_233 = vector.shape_cast %swap3A_232 : vector<1x16xf32> to vector<16xf32>
      %swap3A_234 = vector.shape_cast %add3A_229 : vector<16xf32> to vector<1x16xf32>
      tpu.vector_store %arg9[%swap3A_230, %swap3A_231], %swap3A_234 {strides = array<i32>} : memref<128x64xf32, #tpu.memory_space<vmem>>, vector<1x16xf32>,
      %mul3A_235 = arith.constant 4 : i32
      %mul3A_236 = arith.muli %scan3A_44, %mul3A_235 : i32
      %add3A_237 = arith.constant 3 : i32
      %add3A_238 = arith.addi %mul3A_236, %add3A_237 : i32
      %get3A_239 = arith.index_cast %add3A_238 : i32 to index
      %get3A_240 = arith.constant 0 : index
      %get3A_241 = tpu.vector_load %arg7[%get3A_239, %get3A_240] {strides = array<i32>} : memref<128x128xf32, #tpu.memory_space<vmem>>, vector<1x16xf32>,
      %get3A_242 = vector.shape_cast %get3A_241 : vector<1x16xf32> to vector<16xf32>
      %mul3A_243 = arith.constant 8.000000e+00 : f32
      %mul3A_244 = vector.broadcast %mul3A_243 : f32 to vector<16xf32>
      %mul3A_245 = arith.mulf %get3A_242, %mul3A_244 : vector<16xf32>
      %add3A_246 = arith.addf %mul3A_245, %get3A_49 : vector<16xf32>
      %swap3A_247 = arith.index_cast %add3A_238 : i32 to index
      %swap3A_248 = arith.constant 0 : index
      %swap3A_249 = tpu.vector_load %arg9[%swap3A_247, %swap3A_248] {strides = array<i32>} : memref<128x64xf32, #tpu.memory_space<vmem>>, vector<1x16xf32>,
      %swap3A_250 = vector.shape_cast %swap3A_249 : vector<1x16xf32> to vector<16xf32>
      %swap3A_251 = vector.shape_cast %add3A_246 : vector<16xf32> to vector<1x16xf32>
      tpu.vector_store %arg9[%swap3A_247, %swap3A_248], %swap3A_251 {strides = array<i32>} : memref<128x64xf32, #tpu.memory_space<vmem>>, vector<1x16xf32>,
      %get3A_252 = arith.index_cast %add3A_238 : i32 to index
      %get3A_253 = arith.constant 16 : index
      %get3A_254 = tpu.vector_load %arg7[%get3A_252, %get3A_253] {strides = array<i32>} : memref<128x128xf32, #tpu.memory_space<vmem>>, vector<1x16xf32>,
      %get3A_255 = vector.shape_cast %get3A_254 : vector<1x16xf32> to vector<16xf32>
      %mul3A_256 = arith.constant 8.000000e+00 : f32
      %mul3A_257 = vector.broadcast %mul3A_256 : f32 to vector<16xf32>
      %mul3A_258 = arith.mulf %get3A_255, %mul3A_257 : vector<16xf32>
      %add3A_259 = arith.addf %mul3A_258, %get3A_55 : vector<16xf32>
      %swap3A_260 = arith.index_cast %add3A_238 : i32 to index
      %swap3A_261 = arith.constant 16 : index
      %swap3A_262 = tpu.vector_load %arg9[%swap3A_260, %swap3A_261] {strides = array<i32>} : memref<128x64xf32, #tpu.memory_space<vmem>>, vector<1x16xf32>,
      %swap3A_263 = vector.shape_cast %swap3A_262 : vector<1x16xf32> to vector<16xf32>
      %swap3A_264 = vector.shape_cast %add3A_259 : vector<16xf32> to vector<1x16xf32>
      tpu.vector_store %arg9[%swap3A_260, %swap3A_261], %swap3A_264 {strides = array<i32>} : memref<128x64xf32, #tpu.memory_space<vmem>>, vector<1x16xf32>,
      %get3A_265 = arith.index_cast %add3A_238 : i32 to index
      %get3A_266 = arith.constant 32 : index
      %get3A_267 = tpu.vector_load %arg7[%get3A_265, %get3A_266] {strides = array<i32>} : memref<128x128xf32, #tpu.memory_space<vmem>>, vector<1x16xf32>,
      %get3A_268 = vector.shape_cast %get3A_267 : vector<1x16xf32> to vector<16xf32>
      %mul3A_269 = arith.constant 8.000000e+00 : f32
      %mul3A_270 = vector.broadcast %mul3A_269 : f32 to vector<16xf32>
      %mul3A_271 = arith.mulf %get3A_268, %mul3A_270 : vector<16xf32>
      %add3A_272 = arith.addf %mul3A_271, %get3A_61 : vector<16xf32>
      %swap3A_273 = arith.index_cast %add3A_238 : i32 to index
      %swap3A_274 = arith.constant 32 : index
      %swap3A_275 = tpu.vector_load %arg9[%swap3A_273, %swap3A_274] {strides = array<i32>} : memref<128x64xf32, #tpu.memory_space<vmem>>, vector<1x16xf32>,
      %swap3A_276 = vector.shape_cast %swap3A_275 : vector<1x16xf32> to vector<16xf32>
      %swap3A_277 = vector.shape_cast %add3A_272 : vector<16xf32> to vector<1x16xf32>
      tpu.vector_store %arg9[%swap3A_273, %swap3A_274], %swap3A_277 {strides = array<i32>} : memref<128x64xf32, #tpu.memory_space<vmem>>, vector<1x16xf32>,
      %get3A_278 = arith.index_cast %add3A_238 : i32 to index
      %get3A_279 = arith.constant 48 : index
      %get3A_280 = tpu.vector_load %arg7[%get3A_278, %get3A_279] {strides = array<i32>} : memref<128x128xf32, #tpu.memory_space<vmem>>, vector<1x16xf32>,
      %get3A_281 = vector.shape_cast %get3A_280 : vector<1x16xf32> to vector<16xf32>
      %mul3A_282 = arith.constant 8.000000e+00 : f32
      %mul3A_283 = vector.broadcast %mul3A_282 : f32 to vector<16xf32>
      %mul3A_284 = arith.mulf %get3A_281, %mul3A_283 : vector<16xf32>
      %add3A_285 = arith.addf %mul3A_284, %get3A_67 : vector<16xf32>
      %swap3A_286 = arith.index_cast %add3A_238 : i32 to index
      %swap3A_287 = arith.constant 48 : index
      %swap3A_288 = tpu.vector_load %arg9[%swap3A_286, %swap3A_287] {strides = array<i32>} : memref<128x64xf32, #tpu.memory_space<vmem>>, vector<1x16xf32>,
      %swap3A_289 = vector.shape_cast %swap3A_288 : vector<1x16xf32> to vector<16xf32>
      %swap3A_290 = vector.shape_cast %add3A_285 : vector<16xf32> to vector<1x16xf32>
      tpu.vector_store %arg9[%swap3A_286, %swap3A_287], %swap3A_290 {strides = array<i32>} : memref<128x64xf32, #tpu.memory_space<vmem>>, vector<1x16xf32>,
    }
    %scan3A_22 = arith.constant 32 : i32
    %dma_start3A_23 = arith.constant 0 : i32
    %dma_start3A_24 = tpu.memref_slice %arg5[%mul3A_2, %dma_start3A_23] : memref<8192x64xf32, #tpu.memory_space<hbm>> -> memref<128x64xf32, #tpu.memory_space<hbm>>
    %dma_start3A_25 = arith.constant 0 : i32
    %dma_start3A_26 = tpu.memref_slice %arg5[%mul3A_2, %dma_start3A_25] : memref<8192x64xf32, #tpu.memory_space<hbm>> -> memref<128x64xf32, #tpu.memory_space<hbm>>
    tpu.enqueue_dma source(%arg9 : memref<128x64xf32, #tpu.memory_space<vmem>>) target(%dma_start3A_26 : memref<128x64xf32, #tpu.memory_space<hbm>>) target_semaphore(%arg14 : memref<!tpu.dma_semaphore, #tpu.memory_space<semaphore_mem>>)
    %dma_wait3A_27 = arith.constant 128 : i32
    %dma_wait3A_28 = tpu.memref_slice %arg6[%dma_wait3A_27] : memref<256xi32, #tpu.memory_space<vmem>> -> memref<128xi32, #tpu.memory_space<vmem>>
    %dma_wait3A_29 = arith.constant 0 : i32
    %dma_wait3A_30 = arith.constant 0 : i32
    %dma_wait3A_31 = tpu.memref_slice %arg2[%dma_wait3A_29, %dma_wait3A_30] : memref<1000000x128xf32, #tpu.memory_space<hbm>> -> memref<1000000x128xf32, #tpu.memory_space<hbm>>
    tpu.wait_indirect_dma semaphore(%arg13 : memref<!tpu.dma_semaphore, #tpu.memory_space<semaphore_mem>>) src(%dma_wait3A_31 : memref<1000000x128xf32, #tpu.memory_space<hbm>>) dst(%arg8 : memref<128x128xf32, #tpu.memory_space<vmem>>)
    %scan3A_32 = arith.constant 0 : i32
    %scan3A_33 = arith.constant 0 : i32
    %scan3A_34 = arith.constant 32 : i32
    %scan3A_35 = arith.addi %scan3A_33, %scan3A_34 : i32
    %scan3A_36 = arith.constant 1 : i32
    scf.for %scan3A_44 = %scan3A_33 to %scan3A_35 step %scan3A_36  : i32 {
      %add3A_45 = arith.constant 32 : i32
      %add3A_46 = arith.addi %add3A_45, %scan3A_44 : i32
      %get3A = arith.index_cast %add3A_46 : i32 to index
      %get3A_47 = arith.constant 0 : index
      %get3A_48 = tpu.vector_load %arg11[%get3A, %get3A_47] {strides = array<i32>} : memref<64x64xf32, #tpu.memory_space<vmem>>, vector<1x16xf32>,
      %get3A_49 = vector.shape_cast %get3A_48 : vector<1x16xf32> to vector<16xf32>
      %add3A_50 = arith.constant 32 : i32
      %add3A_51 = arith.addi %add3A_50, %scan3A_44 : i32
      %get3A_52 = arith.index_cast %add3A_51 : i32 to index
      %get3A_53 = arith.constant 16 : index
      %get3A_54 = tpu.vector_load %arg11[%get3A_52, %get3A_53] {strides = array<i32>} : memref<64x64xf32, #tpu.memory_space<vmem>>, vector<1x16xf32>,
      %get3A_55 = vector.shape_cast %get3A_54 : vector<1x16xf32> to vector<16xf32>
      %add3A_56 = arith.constant 32 : i32
      %add3A_57 = arith.addi %add3A_56, %scan3A_44 : i32
      %get3A_58 = arith.index_cast %add3A_57 : i32 to index
      %get3A_59 = arith.constant 32 : index
      %get3A_60 = tpu.vector_load %arg11[%get3A_58, %get3A_59] {strides = array<i32>} : memref<64x64xf32, #tpu.memory_space<vmem>>, vector<1x16xf32>,
      %get3A_61 = vector.shape_cast %get3A_60 : vector<1x16xf32> to vector<16xf32>
      %add3A_62 = arith.constant 32 : i32
      %add3A_63 = arith.addi %add3A_62, %scan3A_44 : i32
      %get3A_64 = arith.index_cast %add3A_63 : i32 to index
      %get3A_65 = arith.constant 48 : index
      %get3A_66 = tpu.vector_load %arg11[%get3A_64, %get3A_65] {strides = array<i32>} : memref<64x64xf32, #tpu.memory_space<vmem>>, vector<1x16xf32>,
      %get3A_67 = vector.shape_cast %get3A_66 : vector<1x16xf32> to vector<16xf32>
      %mul3A_68 = arith.constant 4 : i32
      %mul3A_69 = arith.muli %scan3A_44, %mul3A_68 : i32
      %add3A_70 = arith.constant 0 : i32
      %add3A_71 = arith.addi %mul3A_69, %add3A_70 : i32
      %get3A_72 = arith.index_cast %add3A_71 : i32 to index
      %get3A_73 = arith.constant 0 : index
      %get3A_74 = tpu.vector_load %arg8[%get3A_72, %get3A_73] {strides = array<i32>} : memref<128x128xf32, #tpu.memory_space<vmem>>, vector<1x16xf32>,
      %get3A_75 = vector.shape_cast %get3A_74 : vector<1x16xf32> to vector<16xf32>
      %mul3A_76 = arith.constant 8.000000e+00 : f32
      %mul3A_77 = vector.broadcast %mul3A_76 : f32 to vector<16xf32>
      %mul3A_78 = arith.mulf %get3A_75, %mul3A_77 : vector<16xf32>
      %add3A_79 = arith.addf %mul3A_78, %get3A_49 : vector<16xf32>
      %swap3A = arith.index_cast %add3A_71 : i32 to index
      %swap3A_80 = arith.constant 0 : index
      %swap3A_81 = tpu.vector_load %arg10[%swap3A, %swap3A_80] {strides = array<i32>} : memref<128x64xf32, #tpu.memory_space<vmem>>, vector<1x16xf32>,
      %swap3A_82 = vector.shape_cast %swap3A_81 : vector<1x16xf32> to vector<16xf32>
      %swap3A_83 = vector.shape_cast %add3A_79 : vector<16xf32> to vector<1x16xf32>
      tpu.vector_store %arg10[%swap3A, %swap3A_80], %swap3A_83 {strides = array<i32>} : memref<128x64xf32, #tpu.memory_space<vmem>>, vector<1x16xf32>,
      %get3A_84 = arith.index_cast %add3A_71 : i32 to index
      %get3A_85 = arith.constant 16 : index
      %get3A_86 = tpu.vector_load %arg8[%get3A_84, %get3A_85] {strides = array<i32>} : memref<128x128xf32, #tpu.memory_space<vmem>>, vector<1x16xf32>,
      %get3A_87 = vector.shape_cast %get3A_86 : vector<1x16xf32> to vector<16xf32>
      %mul3A_88 = arith.constant 8.000000e+00 : f32
      %mul3A_89 = vector.broadcast %mul3A_88 : f32 to vector<16xf32>
      %mul3A_90 = arith.mulf %get3A_87, %mul3A_89 : vector<16xf32>
      %add3A_91 = arith.addf %mul3A_90, %get3A_55 : vector<16xf32>
      %swap3A_92 = arith.index_cast %add3A_71 : i32 to index
      %swap3A_93 = arith.constant 16 : index
      %swap3A_94 = tpu.vector_load %arg10[%swap3A_92, %swap3A_93] {strides = array<i32>} : memref<128x64xf32, #tpu.memory_space<vmem>>, vector<1x16xf32>,
      %swap3A_95 = vector.shape_cast %swap3A_94 : vector<1x16xf32> to vector<16xf32>
      %swap3A_96 = vector.shape_cast %add3A_91 : vector<16xf32> to vector<1x16xf32>
      tpu.vector_store %arg10[%swap3A_92, %swap3A_93], %swap3A_96 {strides = array<i32>} : memref<128x64xf32, #tpu.memory_space<vmem>>, vector<1x16xf32>,
      %get3A_97 = arith.index_cast %add3A_71 : i32 to index
      %get3A_98 = arith.constant 32 : index
      %get3A_99 = tpu.vector_load %arg8[%get3A_97, %get3A_98] {strides = array<i32>} : memref<128x128xf32, #tpu.memory_space<vmem>>, vector<1x16xf32>,
      %get3A_100 = vector.shape_cast %get3A_99 : vector<1x16xf32> to vector<16xf32>
      %mul3A_101 = arith.constant 8.000000e+00 : f32
      %mul3A_102 = vector.broadcast %mul3A_101 : f32 to vector<16xf32>
      %mul3A_103 = arith.mulf %get3A_100, %mul3A_102 : vector<16xf32>
      %add3A_104 = arith.addf %mul3A_103, %get3A_61 : vector<16xf32>
      %swap3A_105 = arith.index_cast %add3A_71 : i32 to index
      %swap3A_106 = arith.constant 32 : index
      %swap3A_107 = tpu.vector_load %arg10[%swap3A_105, %swap3A_106] {strides = array<i32>} : memref<128x64xf32, #tpu.memory_space<vmem>>, vector<1x16xf32>,
      %swap3A_108 = vector.shape_cast %swap3A_107 : vector<1x16xf32> to vector<16xf32>
      %swap3A_109 = vector.shape_cast %add3A_104 : vector<16xf32> to vector<1x16xf32>
      tpu.vector_store %arg10[%swap3A_105, %swap3A_106], %swap3A_109 {strides = array<i32>} : memref<128x64xf32, #tpu.memory_space<vmem>>, vector<1x16xf32>,
      %get3A_110 = arith.index_cast %add3A_71 : i32 to index
      %get3A_111 = arith.constant 48 : index
      %get3A_112 = tpu.vector_load %arg8[%get3A_110, %get3A_111] {strides = array<i32>} : memref<128x128xf32, #tpu.memory_space<vmem>>, vector<1x16xf32>,
      %get3A_113 = vector.shape_cast %get3A_112 : vector<1x16xf32> to vector<16xf32>
      %mul3A_114 = arith.constant 8.000000e+00 : f32
      %mul3A_115 = vector.broadcast %mul3A_114 : f32 to vector<16xf32>
      %mul3A_116 = arith.mulf %get3A_113, %mul3A_115 : vector<16xf32>
      %add3A_117 = arith.addf %mul3A_116, %get3A_67 : vector<16xf32>
      %swap3A_118 = arith.index_cast %add3A_71 : i32 to index
      %swap3A_119 = arith.constant 48 : index
      %swap3A_120 = tpu.vector_load %arg10[%swap3A_118, %swap3A_119] {strides = array<i32>} : memref<128x64xf32, #tpu.memory_space<vmem>>, vector<1x16xf32>,
      %swap3A_121 = vector.shape_cast %swap3A_120 : vector<1x16xf32> to vector<16xf32>
      %swap3A_122 = vector.shape_cast %add3A_117 : vector<16xf32> to vector<1x16xf32>
      tpu.vector_store %arg10[%swap3A_118, %swap3A_119], %swap3A_122 {strides = array<i32>} : memref<128x64xf32, #tpu.memory_space<vmem>>, vector<1x16xf32>,
      %mul3A_123 = arith.constant 4 : i32
      %mul3A_124 = arith.muli %scan3A_44, %mul3A_123 : i32
      %add3A_125 = arith.constant 1 : i32
      %add3A_126 = arith.addi %mul3A_124, %add3A_125 : i32
      %get3A_127 = arith.index_cast %add3A_126 : i32 to index
      %get3A_128 = arith.constant 0 : index
      %get3A_129 = tpu.vector_load %arg8[%get3A_127, %get3A_128] {strides = array<i32>} : memref<128x128xf32, #tpu.memory_space<vmem>>, vector<1x16xf32>,
      %get3A_130 = vector.shape_cast %get3A_129 : vector<1x16xf32> to vector<16xf32>
      %mul3A_131 = arith.constant 8.000000e+00 : f32
      %mul3A_132 = vector.broadcast %mul3A_131 : f32 to vector<16xf32>
      %mul3A_133 = arith.mulf %get3A_130, %mul3A_132 : vector<16xf32>
      %add3A_134 = arith.addf %mul3A_133, %get3A_49 : vector<16xf32>
      %swap3A_135 = arith.index_cast %add3A_126 : i32 to index
      %swap3A_136 = arith.constant 0 : index
      %swap3A_137 = tpu.vector_load %arg10[%swap3A_135, %swap3A_136] {strides = array<i32>} : memref<128x64xf32, #tpu.memory_space<vmem>>, vector<1x16xf32>,
      %swap3A_138 = vector.shape_cast %swap3A_137 : vector<1x16xf32> to vector<16xf32>
      %swap3A_139 = vector.shape_cast %add3A_134 : vector<16xf32> to vector<1x16xf32>
      tpu.vector_store %arg10[%swap3A_135, %swap3A_136], %swap3A_139 {strides = array<i32>} : memref<128x64xf32, #tpu.memory_space<vmem>>, vector<1x16xf32>,
      %get3A_140 = arith.index_cast %add3A_126 : i32 to index
      %get3A_141 = arith.constant 16 : index
      %get3A_142 = tpu.vector_load %arg8[%get3A_140, %get3A_141] {strides = array<i32>} : memref<128x128xf32, #tpu.memory_space<vmem>>, vector<1x16xf32>,
      %get3A_143 = vector.shape_cast %get3A_142 : vector<1x16xf32> to vector<16xf32>
      %mul3A_144 = arith.constant 8.000000e+00 : f32
      %mul3A_145 = vector.broadcast %mul3A_144 : f32 to vector<16xf32>
      %mul3A_146 = arith.mulf %get3A_143, %mul3A_145 : vector<16xf32>
      %add3A_147 = arith.addf %mul3A_146, %get3A_55 : vector<16xf32>
      %swap3A_148 = arith.index_cast %add3A_126 : i32 to index
      %swap3A_149 = arith.constant 16 : index
      %swap3A_150 = tpu.vector_load %arg10[%swap3A_148, %swap3A_149] {strides = array<i32>} : memref<128x64xf32, #tpu.memory_space<vmem>>, vector<1x16xf32>,
      %swap3A_151 = vector.shape_cast %swap3A_150 : vector<1x16xf32> to vector<16xf32>
      %swap3A_152 = vector.shape_cast %add3A_147 : vector<16xf32> to vector<1x16xf32>
      tpu.vector_store %arg10[%swap3A_148, %swap3A_149], %swap3A_152 {strides = array<i32>} : memref<128x64xf32, #tpu.memory_space<vmem>>, vector<1x16xf32>,
      %get3A_153 = arith.index_cast %add3A_126 : i32 to index
      %get3A_154 = arith.constant 32 : index
      %get3A_155 = tpu.vector_load %arg8[%get3A_153, %get3A_154] {strides = array<i32>} : memref<128x128xf32, #tpu.memory_space<vmem>>, vector<1x16xf32>,
      %get3A_156 = vector.shape_cast %get3A_155 : vector<1x16xf32> to vector<16xf32>
      %mul3A_157 = arith.constant 8.000000e+00 : f32
      %mul3A_158 = vector.broadcast %mul3A_157 : f32 to vector<16xf32>
      %mul3A_159 = arith.mulf %get3A_156, %mul3A_158 : vector<16xf32>
      %add3A_160 = arith.addf %mul3A_159, %get3A_61 : vector<16xf32>
      %swap3A_161 = arith.index_cast %add3A_126 : i32 to index
      %swap3A_162 = arith.constant 32 : index
      %swap3A_163 = tpu.vector_load %arg10[%swap3A_161, %swap3A_162] {strides = array<i32>} : memref<128x64xf32, #tpu.memory_space<vmem>>, vector<1x16xf32>,
      %swap3A_164 = vector.shape_cast %swap3A_163 : vector<1x16xf32> to vector<16xf32>
      %swap3A_165 = vector.shape_cast %add3A_160 : vector<16xf32> to vector<1x16xf32>
      tpu.vector_store %arg10[%swap3A_161, %swap3A_162], %swap3A_165 {strides = array<i32>} : memref<128x64xf32, #tpu.memory_space<vmem>>, vector<1x16xf32>,
      %get3A_166 = arith.index_cast %add3A_126 : i32 to index
      %get3A_167 = arith.constant 48 : index
      %get3A_168 = tpu.vector_load %arg8[%get3A_166, %get3A_167] {strides = array<i32>} : memref<128x128xf32, #tpu.memory_space<vmem>>, vector<1x16xf32>,
      %get3A_169 = vector.shape_cast %get3A_168 : vector<1x16xf32> to vector<16xf32>
      %mul3A_170 = arith.constant 8.000000e+00 : f32
      %mul3A_171 = vector.broadcast %mul3A_170 : f32 to vector<16xf32>
      %mul3A_172 = arith.mulf %get3A_169, %mul3A_171 : vector<16xf32>
      %add3A_173 = arith.addf %mul3A_172, %get3A_67 : vector<16xf32>
      %swap3A_174 = arith.index_cast %add3A_126 : i32 to index
      %swap3A_175 = arith.constant 48 : index
      %swap3A_176 = tpu.vector_load %arg10[%swap3A_174, %swap3A_175] {strides = array<i32>} : memref<128x64xf32, #tpu.memory_space<vmem>>, vector<1x16xf32>,
      %swap3A_177 = vector.shape_cast %swap3A_176 : vector<1x16xf32> to vector<16xf32>
      %swap3A_178 = vector.shape_cast %add3A_173 : vector<16xf32> to vector<1x16xf32>
      tpu.vector_store %arg10[%swap3A_174, %swap3A_175], %swap3A_178 {strides = array<i32>} : memref<128x64xf32, #tpu.memory_space<vmem>>, vector<1x16xf32>,
      %mul3A_179 = arith.constant 4 : i32
      %mul3A_180 = arith.muli %scan3A_44, %mul3A_179 : i32
      %add3A_181 = arith.constant 2 : i32
      %add3A_182 = arith.addi %mul3A_180, %add3A_181 : i32
      %get3A_183 = arith.index_cast %add3A_182 : i32 to index
      %get3A_184 = arith.constant 0 : index
      %get3A_185 = tpu.vector_load %arg8[%get3A_183, %get3A_184] {strides = array<i32>} : memref<128x128xf32, #tpu.memory_space<vmem>>, vector<1x16xf32>,
      %get3A_186 = vector.shape_cast %get3A_185 : vector<1x16xf32> to vector<16xf32>
      %mul3A_187 = arith.constant 8.000000e+00 : f32
      %mul3A_188 = vector.broadcast %mul3A_187 : f32 to vector<16xf32>
      %mul3A_189 = arith.mulf %get3A_186, %mul3A_188 : vector<16xf32>
      %add3A_190 = arith.addf %mul3A_189, %get3A_49 : vector<16xf32>
      %swap3A_191 = arith.index_cast %add3A_182 : i32 to index
      %swap3A_192 = arith.constant 0 : index
      %swap3A_193 = tpu.vector_load %arg10[%swap3A_191, %swap3A_192] {strides = array<i32>} : memref<128x64xf32, #tpu.memory_space<vmem>>, vector<1x16xf32>,
      %swap3A_194 = vector.shape_cast %swap3A_193 : vector<1x16xf32> to vector<16xf32>
      %swap3A_195 = vector.shape_cast %add3A_190 : vector<16xf32> to vector<1x16xf32>
      tpu.vector_store %arg10[%swap3A_191, %swap3A_192], %swap3A_195 {strides = array<i32>} : memref<128x64xf32, #tpu.memory_space<vmem>>, vector<1x16xf32>,
      %get3A_196 = arith.index_cast %add3A_182 : i32 to index
      %get3A_197 = arith.constant 16 : index
      %get3A_198 = tpu.vector_load %arg8[%get3A_196, %get3A_197] {strides = array<i32>} : memref<128x128xf32, #tpu.memory_space<vmem>>, vector<1x16xf32>,
      %get3A_199 = vector.shape_cast %get3A_198 : vector<1x16xf32> to vector<16xf32>
      %mul3A_200 = arith.constant 8.000000e+00 : f32
      %mul3A_201 = vector.broadcast %mul3A_200 : f32 to vector<16xf32>
      %mul3A_202 = arith.mulf %get3A_199, %mul3A_201 : vector<16xf32>
      %add3A_203 = arith.addf %mul3A_202, %get3A_55 : vector<16xf32>
      %swap3A_204 = arith.index_cast %add3A_182 : i32 to index
      %swap3A_205 = arith.constant 16 : index
      %swap3A_206 = tpu.vector_load %arg10[%swap3A_204, %swap3A_205] {strides = array<i32>} : memref<128x64xf32, #tpu.memory_space<vmem>>, vector<1x16xf32>,
      %swap3A_207 = vector.shape_cast %swap3A_206 : vector<1x16xf32> to vector<16xf32>
      %swap3A_208 = vector.shape_cast %add3A_203 : vector<16xf32> to vector<1x16xf32>
      tpu.vector_store %arg10[%swap3A_204, %swap3A_205], %swap3A_208 {strides = array<i32>} : memref<128x64xf32, #tpu.memory_space<vmem>>, vector<1x16xf32>,
      %get3A_209 = arith.index_cast %add3A_182 : i32 to index
      %get3A_210 = arith.constant 32 : index
      %get3A_211 = tpu.vector_load %arg8[%get3A_209, %get3A_210] {strides = array<i32>} : memref<128x128xf32, #tpu.memory_space<vmem>>, vector<1x16xf32>,
      %get3A_212 = vector.shape_cast %get3A_211 : vector<1x16xf32> to vector<16xf32>
      %mul3A_213 = arith.constant 8.000000e+00 : f32
      %mul3A_214 = vector.broadcast %mul3A_213 : f32 to vector<16xf32>
      %mul3A_215 = arith.mulf %get3A_212, %mul3A_214 : vector<16xf32>
      %add3A_216 = arith.addf %mul3A_215, %get3A_61 : vector<16xf32>
      %swap3A_217 = arith.index_cast %add3A_182 : i32 to index
      %swap3A_218 = arith.constant 32 : index
      %swap3A_219 = tpu.vector_load %arg10[%swap3A_217, %swap3A_218] {strides = array<i32>} : memref<128x64xf32, #tpu.memory_space<vmem>>, vector<1x16xf32>,
      %swap3A_220 = vector.shape_cast %swap3A_219 : vector<1x16xf32> to vector<16xf32>
      %swap3A_221 = vector.shape_cast %add3A_216 : vector<16xf32> to vector<1x16xf32>
      tpu.vector_store %arg10[%swap3A_217, %swap3A_218], %swap3A_221 {strides = array<i32>} : memref<128x64xf32, #tpu.memory_space<vmem>>, vector<1x16xf32>,
      %get3A_222 = arith.index_cast %add3A_182 : i32 to index
      %get3A_223 = arith.constant 48 : index
      %get3A_224 = tpu.vector_load %arg8[%get3A_222, %get3A_223] {strides = array<i32>} : memref<128x128xf32, #tpu.memory_space<vmem>>, vector<1x16xf32>,
      %get3A_225 = vector.shape_cast %get3A_224 : vector<1x16xf32> to vector<16xf32>
      %mul3A_226 = arith.constant 8.000000e+00 : f32
      %mul3A_227 = vector.broadcast %mul3A_226 : f32 to vector<16xf32>
      %mul3A_228 = arith.mulf %get3A_225, %mul3A_227 : vector<16xf32>
      %add3A_229 = arith.addf %mul3A_228, %get3A_67 : vector<16xf32>
      %swap3A_230 = arith.index_cast %add3A_182 : i32 to index
      %swap3A_231 = arith.constant 48 : index
      %swap3A_232 = tpu.vector_load %arg10[%swap3A_230, %swap3A_231] {strides = array<i32>} : memref<128x64xf32, #tpu.memory_space<vmem>>, vector<1x16xf32>,
      %swap3A_233 = vector.shape_cast %swap3A_232 : vector<1x16xf32> to vector<16xf32>
      %swap3A_234 = vector.shape_cast %add3A_229 : vector<16xf32> to vector<1x16xf32>
      tpu.vector_store %arg10[%swap3A_230, %swap3A_231], %swap3A_234 {strides = array<i32>} : memref<128x64xf32, #tpu.memory_space<vmem>>, vector<1x16xf32>,
      %mul3A_235 = arith.constant 4 : i32
      %mul3A_236 = arith.muli %scan3A_44, %mul3A_235 : i32
      %add3A_237 = arith.constant 3 : i32
      %add3A_238 = arith.addi %mul3A_236, %add3A_237 : i32
      %get3A_239 = arith.index_cast %add3A_238 : i32 to index
      %get3A_240 = arith.constant 0 : index
      %get3A_241 = tpu.vector_load %arg8[%get3A_239, %get3A_240] {strides = array<i32>} : memref<128x128xf32, #tpu.memory_space<vmem>>, vector<1x16xf32>,
      %get3A_242 = vector.shape_cast %get3A_241 : vector<1x16xf32> to vector<16xf32>
      %mul3A_243 = arith.constant 8.000000e+00 : f32
      %mul3A_244 = vector.broadcast %mul3A_243 : f32 to vector<16xf32>
      %mul3A_245 = arith.mulf %get3A_242, %mul3A_244 : vector<16xf32>
      %add3A_246 = arith.addf %mul3A_245, %get3A_49 : vector<16xf32>
      %swap3A_247 = arith.index_cast %add3A_238 : i32 to index
      %swap3A_248 = arith.constant 0 : index
      %swap3A_249 = tpu.vector_load %arg10[%swap3A_247, %swap3A_248] {strides = array<i32>} : memref<128x64xf32, #tpu.memory_space<vmem>>, vector<1x16xf32>,
      %swap3A_250 = vector.shape_cast %swap3A_249 : vector<1x16xf32> to vector<16xf32>
      %swap3A_251 = vector.shape_cast %add3A_246 : vector<16xf32> to vector<1x16xf32>
      tpu.vector_store %arg10[%swap3A_247, %swap3A_248], %swap3A_251 {strides = array<i32>} : memref<128x64xf32, #tpu.memory_space<vmem>>, vector<1x16xf32>,
      %get3A_252 = arith.index_cast %add3A_238 : i32 to index
      %get3A_253 = arith.constant 16 : index
      %get3A_254 = tpu.vector_load %arg8[%get3A_252, %get3A_253] {strides = array<i32>} : memref<128x128xf32, #tpu.memory_space<vmem>>, vector<1x16xf32>,
      %get3A_255 = vector.shape_cast %get3A_254 : vector<1x16xf32> to vector<16xf32>
      %mul3A_256 = arith.constant 8.000000e+00 : f32
      %mul3A_257 = vector.broadcast %mul3A_256 : f32 to vector<16xf32>
      %mul3A_258 = arith.mulf %get3A_255, %mul3A_257 : vector<16xf32>
      %add3A_259 = arith.addf %mul3A_258, %get3A_55 : vector<16xf32>
      %swap3A_260 = arith.index_cast %add3A_238 : i32 to index
      %swap3A_261 = arith.constant 16 : index
      %swap3A_262 = tpu.vector_load %arg10[%swap3A_260, %swap3A_261] {strides = array<i32>} : memref<128x64xf32, #tpu.memory_space<vmem>>, vector<1x16xf32>,
      %swap3A_263 = vector.shape_cast %swap3A_262 : vector<1x16xf32> to vector<16xf32>
      %swap3A_264 = vector.shape_cast %add3A_259 : vector<16xf32> to vector<1x16xf32>
      tpu.vector_store %arg10[%swap3A_260, %swap3A_261], %swap3A_264 {strides = array<i32>} : memref<128x64xf32, #tpu.memory_space<vmem>>, vector<1x16xf32>,
      %get3A_265 = arith.index_cast %add3A_238 : i32 to index
      %get3A_266 = arith.constant 32 : index
      %get3A_267 = tpu.vector_load %arg8[%get3A_265, %get3A_266] {strides = array<i32>} : memref<128x128xf32, #tpu.memory_space<vmem>>, vector<1x16xf32>,
      %get3A_268 = vector.shape_cast %get3A_267 : vector<1x16xf32> to vector<16xf32>
      %mul3A_269 = arith.constant 8.000000e+00 : f32
      %mul3A_270 = vector.broadcast %mul3A_269 : f32 to vector<16xf32>
      %mul3A_271 = arith.mulf %get3A_268, %mul3A_270 : vector<16xf32>
      %add3A_272 = arith.addf %mul3A_271, %get3A_61 : vector<16xf32>
      %swap3A_273 = arith.index_cast %add3A_238 : i32 to index
      %swap3A_274 = arith.constant 32 : index
      %swap3A_275 = tpu.vector_load %arg10[%swap3A_273, %swap3A_274] {strides = array<i32>} : memref<128x64xf32, #tpu.memory_space<vmem>>, vector<1x16xf32>,
      %swap3A_276 = vector.shape_cast %swap3A_275 : vector<1x16xf32> to vector<16xf32>
      %swap3A_277 = vector.shape_cast %add3A_272 : vector<16xf32> to vector<1x16xf32>
      tpu.vector_store %arg10[%swap3A_273, %swap3A_274], %swap3A_277 {strides = array<i32>} : memref<128x64xf32, #tpu.memory_space<vmem>>, vector<1x16xf32>,
      %get3A_278 = arith.index_cast %add3A_238 : i32 to index
      %get3A_279 = arith.constant 48 : index
      %get3A_280 = tpu.vector_load %arg8[%get3A_278, %get3A_279] {strides = array<i32>} : memref<128x128xf32, #tpu.memory_space<vmem>>, vector<1x16xf32>,
      %get3A_281 = vector.shape_cast %get3A_280 : vector<1x16xf32> to vector<16xf32>
      %mul3A_282 = arith.constant 8.000000e+00 : f32
      %mul3A_283 = vector.broadcast %mul3A_282 : f32 to vector<16xf32>
      %mul3A_284 = arith.mulf %get3A_281, %mul3A_283 : vector<16xf32>
      %add3A_285 = arith.addf %mul3A_284, %get3A_67 : vector<16xf32>
      %swap3A_286 = arith.index_cast %add3A_238 : i32 to index
      %swap3A_287 = arith.constant 48 : index
      %swap3A_288 = tpu.vector_load %arg10[%swap3A_286, %swap3A_287] {strides = array<i32>} : memref<128x64xf32, #tpu.memory_space<vmem>>, vector<1x16xf32>,
      %swap3A_289 = vector.shape_cast %swap3A_288 : vector<1x16xf32> to vector<16xf32>
      %swap3A_290 = vector.shape_cast %add3A_285 : vector<16xf32> to vector<1x16xf32>
      tpu.vector_store %arg10[%swap3A_286, %swap3A_287], %swap3A_290 {strides = array<i32>} : memref<128x64xf32, #tpu.memory_space<vmem>>, vector<1x16xf32>,
    }
    %scan3A_37 = arith.constant 32 : i32
    %add3A_38 = arith.constant 128 : i32
    %add3A_39 = arith.addi %mul3A_2, %add3A_38 : i32
    "tpu.region"() ({
      %run_scoped3A = tpu.sem_alloc : memref<!tpu.dma_semaphore, #tpu.memory_space<semaphore_mem>>
      %dma_start3A_44 = arith.constant 0 : i32
      %dma_start3A_45 = tpu.memref_slice %arg5[%add3A_39, %dma_start3A_44] : memref<8192x64xf32, #tpu.memory_space<hbm>> -> memref<128x64xf32, #tpu.memory_space<hbm>>
      %dma_start3A_46 = arith.constant 0 : i32
      %dma_start3A_47 = tpu.memref_slice %arg5[%add3A_39, %dma_start3A_46] : memref<8192x64xf32, #tpu.memory_space<hbm>> -> memref<128x64xf32, #tpu.memory_space<hbm>>
      tpu.enqueue_dma source(%arg10 : memref<128x64xf32, #tpu.memory_space<vmem>>) target(%dma_start3A_47 : memref<128x64xf32, #tpu.memory_space<hbm>>) target_semaphore(%run_scoped3A : memref<!tpu.dma_semaphore, #tpu.memory_space<semaphore_mem>>)
      %dma_wait3A_48 = arith.constant 0 : i32
      %dma_wait3A_49 = tpu.memref_slice %arg5[%add3A_39, %dma_wait3A_48] : memref<8192x64xf32, #tpu.memory_space<hbm>> -> memref<128x64xf32, #tpu.memory_space<hbm>>
      %dma_wait3A_50 = arith.constant 0 : i32
      %dma_wait3A_51 = tpu.memref_slice %arg5[%add3A_39, %dma_wait3A_50] : memref<8192x64xf32, #tpu.memory_space<hbm>> -> memref<128x64xf32, #tpu.memory_space<hbm>>
      tpu.wait_dma2 semaphore(%run_scoped3A : memref<!tpu.dma_semaphore, #tpu.memory_space<semaphore_mem>>) src(%arg10 : memref<128x64xf32, #tpu.memory_space<vmem>>) dst(%dma_wait3A_51 : memref<128x64xf32, #tpu.memory_space<hbm>>)
      tpu.yield
    }) : () -> ()
    %dma_wait3A_40 = arith.constant 0 : i32
    %dma_wait3A_41 = tpu.memref_slice %arg5[%mul3A_2, %dma_wait3A_40] : memref<8192x64xf32, #tpu.memory_space<hbm>> -> memref<128x64xf32, #tpu.memory_space<hbm>>
    %dma_wait3A_42 = arith.constant 0 : i32
    %dma_wait3A_43 = tpu.memref_slice %arg5[%mul3A_2, %dma_wait3A_42] : memref<8192x64xf32, #tpu.memory_space<hbm>> -> memref<128x64xf32, #tpu.memory_space<hbm>>
    tpu.wait_dma2 semaphore(%arg14 : memref<!tpu.dma_semaphore, #tpu.memory_space<semaphore_mem>>) src(%arg9 : memref<128x64xf32, #tpu.memory_space<vmem>>) dst(%dma_wait3A_43 : memref<128x64xf32, #tpu.memory_space<hbm>>)
    return
  }
}

module attributes {stable_mosaic.version = 14 : i64} {
  func.func @_relayout_body(%arg0: i32, %arg1: memref<64x512xf32, #tpu.memory_space<vmem>>, %arg2: memref<512x128xf32, #tpu.memory_space<vmem>>) attributes {dimension_semantics = [#tpu.dimension_semantics<arbitrary>], iteration_bounds = array<i64: 1954>, scalar_prefetch = 0 : i64, scratch_operands = 0 : i64, tpu.core_type = #tpu.core_type<tc>, window_params = [{transform_indices = @transform_0, window_bounds = array<i64: 64, 512>}, {transform_indices = @transform_1, window_bounds = array<i64: 512, 128>}]} {
    %get3A = arith.constant 0 : index
    %get3A_0 = arith.constant 0 : index
    %get3A_1 = vector.load %arg1[%get3A, %get3A_0] : memref<64x512xf32, #tpu.memory_space<vmem>>, vector<64x512xf32>
    %transpose3A = tpu.transpose %get3A_1, [1, 0] : vector<64x512xf32> -> vector<512x64xf32>
    %swap3A = arith.constant 0 : index
    %swap3A_2 = arith.constant 0 : index
    %swap3A_3 = vector.load %arg2[%swap3A, %swap3A_2] : memref<512x128xf32, #tpu.memory_space<vmem>>, vector<512x64xf32>
    tpu.vector_store %arg2[%swap3A, %swap3A_2], %transpose3A {strides = array<i32>} : memref<512x128xf32, #tpu.memory_space<vmem>>, vector<512x64xf32>,
    %swap3A_4 = arith.constant 0 : index
    %swap3A_5 = arith.constant 64 : index
    %swap3A_6 = vector.load %arg2[%swap3A_4, %swap3A_5] : memref<512x128xf32, #tpu.memory_space<vmem>>, vector<512x64xf32>
    tpu.vector_store %arg2[%swap3A_4, %swap3A_5], %transpose3A {strides = array<i32>} : memref<512x128xf32, #tpu.memory_space<vmem>>, vector<512x64xf32>,
    return
  }
  func.func @transform_0(%arg0: i32) -> (i32, i32) {
    %c0_i32 = arith.constant 0 : i32
    %c0_i32_0 = arith.constant 0 : i32
    return %c0_i32, %arg0 : i32, i32
  }
  func.func @transform_1(%arg0: i32) -> (i32, i32) {
    %c0_i32 = arith.constant 0 : i32
    %c0_i32_0 = arith.constant 0 : i32
    return %arg0, %c0_i32 : i32, i32
  }
}

</mosaic_0001>

<sc_bundles>
// kernel: kernel.4.cloned.1.call-start
scs
__scs_entry_jumppad:
0x0: {  	(pc) =	sbr.rel $0x88, $3  }
0x1: {  	(tag) =	ssettag $0x0;
	lr =	simm.s32 $0x1  }
0x2: {  	[smem:$0x3F9E] =	sst lr;
	_ =	strace $0xD0000000  }
0x3: {  	_ = 	snop  }
0x4: {  	_ = 	snop  }
0x5: {  	_ = 	snop  }
0x6: {  	_ = 	snop  }
0x7: {  	_ = 	snop  }
__scs_overlays_trampoline_lowered:
0x8: {  	[smem:$0x3FAD] =	sst s0  }
0x9: {  	[smem:$0x3FAE] =	sst s1  }
0xa: {  	[smem:$0x3FAF] =	sst s2  }
0xb: {  	[smem:$0x3FB0] =	sst s3  }
0xc: {  	[smem:$0x3FB1] =	sst s4  }
0xd: {  	[smem:$0x3FB2] =	sst s5  }
0xe: {  	[smem:$0x3FB3] =	sst s6  }
0xf: {  	[smem:$0x3FB4] =	sst s7  }
0x10: {  	[smem:$0x3FB5] =	sst s8  }
0x11: {  	[smem:$0x3FB6] =	sst s9;
	s0 =	simm.s32 @!p0 $0x0  }
0x12: {  	s1 =	sld [smem:$0x3F9C];
	s0 =	simm.s32 @p0 $0x1  }
0x13: {  	[smem:$0x3FB7] =	sst s0;
	s0 =	simm.s32 @!p1 $0x0  }
0x14: {  	s2 =	sld [smem:$0x3F9B];
	s0 =	simm.s32 @p1 $0x1  }
0x15: {  	[smem:$0x3FB8] =	sst s0;
	s0 =	simm.s32 @!p2 $0x0  }
0x16: {  	s3 =	sld [smem:$0x3FDB];
	s0 =	simm.s32 @p2 $0x1  }
0x17: {  	s4 =	simm.s32 $0x1BF5;
	[smem:$0x3FBA] =	sst s0  }
0x18: {  	s0 =	sld [smem:$0x3F9D];
	_ =	swait.ge [sflag:s4], $0x0  }
0x19: {  	s7 =	sld [smem:$0x3F9E]  }
0x1a: {  	s8 =	sadd.s32 $0xFFFFE003, lr  }
0x1b: {  	s9 =	sadd.s32 $0xFFFFFEF7, lr;
	s5 =	simm.s32 $0xFFFFFFFF;
	p2 =	slt.u32 s8, $0xFFFFF086  }
0x1c: {  	p1 =	slt.u32 s9, $0xF7A;
	s5 =	simm.s32 @!p2 $0x0  }
0x1d: {  	s5 =	simm.s32 @p1 $0x1;
	p0 =	seq.s32 s7, s2  }
0x1e: {  	s7 =	smul.u32 @!p0 $0xF7A, s2;
	p2 =	seq.s32 @!p0 s5, $0x0  }
0x1f: {  	s9 =	smul.u32 $0xF7A, s1;
	s8 =	simm.s32 @!p0 $0x1BF5;
	p2 =	por !p2, p0  }
0x20: {  	[sflag:s8] =	ssyncset.s32 @!p0 $0xFFFFF086;
	s6 =	sadd.s32 @!p0 s3, s7;
	s7 =	simm.s32 @!p0 $0x108  }
0x21: {  	s3 =	sadd.s32 s3, s9;
	s6 =	sadd.s32 @!p0 $0x88, s6;
	s7 =	simm.s32 @p2 $0x1082  }
0x22: {  	[simem:s7], [sflag:s8] =	dma.local @!p0 [hbm:s6], $0xF7A  }
0x23: {  	s9 =	sor.u32 $0xD0000000, s2;
	s6 =	simm.s32 $0x108;
	_ =	swait.ge @!p0 [sflag:s8], $0x0  }
0x24: {  	s3 =	sadd.s32 $0x88, s3;
	s6 =	simm.s32 @!p1 $0x1082;
	[sflag:s4] =	ssyncset.s32 $0xFFFFF086  }
0x25: {  	[simem:s6], [sflag:s4] =	dma.local [hbm:s3], $0xF7A  }
0x26: {  	[smem:$0x3F9E] =	sst s1;
	(tag) =	ssettag s2;
	_ =	strace s9  }
0x27: {  	s1 =	sld [smem:$0x3FAE]  }
0x28: {  	s2 =	sld [smem:$0x3FAF]  }
0x29: {  	s4 =	sld [smem:$0x3FB1]  }
0x2a: {  	p0 =	seq.s32 s5, $0x0;
	s5 =	sld [smem:$0x3FB2]  }
0x2b: {  	s6 =	sld [smem:$0x3FB3]  }
0x2c: {  	s7 =	sld [smem:$0x3FB4]  }
0x2d: {  	s3 =	simm.s32 $0x108;
	s8 =	sld [smem:$0x3FB5]  }
0x2e: {  	s3 =	simm.s32 @!p0 $0x1082;
	s9 =	sld [smem:$0x3FB6]  }
0x2f: {  	lr =	sadd.s32 s0, s3;
	s0 =	sld [smem:$0x3FAD]  }
0x30: {  	s3 =	sld [smem:$0x3FB0]  }
0x31: {  	[smem:$0x3FB9] =	sst s10  }
0x32: {  	s10 =	sld [smem:$0x3FB7];
	_ =	sdelay $0x3  }
0x33: {  	p0 =	seq.s32 s10, $0x1;
	s10 =	sld [smem:$0x3FB9];
	_ =	sdelay $0x3  }
0x34: {  	[smem:$0x3FB9] =	sst s10  }
0x35: {  	s10 =	sld [smem:$0x3FB8];
	_ =	sdelay $0x3  }
0x36: {  	p1 =	seq.s32 s10, $0x1;
	s10 =	sld [smem:$0x3FB9];
	_ =	sdelay $0x3  }
0x37: {  	[smem:$0x3FB9] =	sst s10  }
0x38: {  	s10 =	sld [smem:$0x3FBA]  }
0x39: {  	_ = 	snop;
	(pc) =	sbr.ind lr, $3  }
0x3a: {  	_ = 	snop  }
0x3b: {  	_ = 	snop  }
0x3c: {  	p2 =	seq.s32 s10, $0x1;
	s10 =	sld [smem:$0x3FB9]  }
0x3d: {  	_ =	shalt  }
0x3e: {  	_ =	shalt  }
0x3f: {  	_ =	shalt  }
0x40: {  	_ =	shalt  }
0x41: {  	_ =	shalt  }
0x42: {  	_ =	shalt  }
0x43: {  	_ =	shalt  }
0x44: {  	_ =	shalt  }
0x45: {  	_ =	shalt  }
0x46: {  	_ =	shalt  }
0x47: {  	_ =	shalt  }
0x48: {  	_ =	shalt  }
0x49: {  	_ =	shalt  }
0x4a: {  	_ =	shalt  }
0x4b: {  	_ =	shalt  }
0x4c: {  	_ =	shalt  }
0x4d: {  	_ =	shalt  }
0x4e: {  	_ =	shalt  }
0x4f: {  	_ =	shalt  }
0x50: {  	_ =	shalt  }
0x51: {  	_ =	shalt  }
0x52: {  	_ =	shalt  }
0x53: {  	_ =	shalt  }
0x54: {  	_ =	shalt  }
0x55: {  	_ =	shalt  }
0x56: {  	_ =	shalt  }
0x57: {  	_ =	shalt  }
0x58: {  	_ =	shalt  }
0x59: {  	_ =	shalt  }
0x5a: {  	_ =	shalt  }
0x5b: {  	_ =	shalt  }
0x5c: {  	_ =	shalt  }
0x5d: {  	_ =	shalt  }
0x5e: {  	_ =	shalt  }
0x5f: {  	_ =	shalt  }
0x60: {  	_ =	shalt  }
0x61: {  	_ =	shalt  }
0x62: {  	_ =	shalt  }
0x63: {  	_ =	shalt  }
0x64: {  	_ =	shalt  }
0x65: {  	_ =	shalt  }
0x66: {  	_ =	shalt  }
0x67: {  	_ =	shalt  }
0x68: {  	_ =	shalt  }
0x69: {  	_ =	shalt  }
0x6a: {  	_ =	shalt  }
0x6b: {  	_ =	shalt  }
0x6c: {  	_ =	shalt  }
0x6d: {  	_ =	shalt  }
0x6e: {  	_ =	shalt  }
0x6f: {  	_ =	shalt  }
0x70: {  	_ =	shalt  }
0x71: {  	_ =	shalt  }
0x72: {  	_ =	shalt  }
0x73: {  	_ =	shalt  }
0x74: {  	_ =	shalt  }
0x75: {  	_ =	shalt  }
0x76: {  	_ =	shalt  }
0x77: {  	_ =	shalt  }
0x78: {  	_ =	shalt  }
0x79: {  	_ =	shalt  }
0x7a: {  	_ =	shalt  }
0x7b: {  	_ =	shalt  }
0x7c: {  	_ =	shalt  }
0x7d: {  	_ =	shalt  }
0x7e: {  	_ =	shalt  }
0x7f: {  	_ =	shalt  }
0x80: {  	_ =	shalt  }
0x81: {  	_ =	shalt  }
0x82: {  	_ =	shalt  }
0x83: {  	_ =	shalt  }
0x84: {  	_ =	shalt  }
0x85: {  	_ =	shalt  }
0x86: {  	_ =	shalt  }
0x87: {  	_ =	shalt  }
.Lfunc_end0:
.L_simem_size_0:
called_computation_lowered:
.L_overlay_start_0:
0x88: {  	s2 =	sld [smem:$0x3FD9]  }
0x89: {  	s3 =	sld [smem:$0x3FFE];
	_ =	sdelay $0x1  }
0x8a: {  	s1 =	srdreg.scid  }
0x8b: {  	s0 =	sand.u32 $0x1, s1  }
0x8c: {  	s17 =	sshll.u32 s0, $0xA;
	s2 =	sadd.s32 s3, s2  }
0x8d: {  	s2 =	sadd.s32 s2, s17  }
0x8e: {  	[smem:$0x3FC5] =	sst s2  }
0x8f: {  	_ = 	snop  }
0x90: {  	s2 =	sld [smem:$0x3FD0];
	(tm) =	ssettm $0x1  }
0x91: {  	s18 =	sld [smem:$0x3FFB];
	_ =	sdelay $0x3  }
0x92: {  	_ =	strace s18  }
0x93: {  	s3 =	sld [smem:$0x3FFC];
	_ =	sdelay $0x3  }
0x94: {  	_ =	strace s3  }
0x95: {  	s3 =	sld [smem:$0x3FFD];
	_ =	sdelay $0x3  }
0x96: {  	_ =	strace s3  }
0x97: {  	_ =	strace $0x8FFFFFFF  }
0x98: {  	s19 =	sld [smem:$0x3FDB];
	_ =	sdelay $0x1  }
0x99: {  	s4 =	simm.s32 $_scs_section_size  }
0x9a: {  	s5 =	simm.s32 $_size__tile_overlayer_lowered;
	s6 =	simm.s32 $_tile_overlayer_lowered  }
0x9b: {  	s22 =	simm.s32 $0x1BFF;
	s21 =	sshll.u32 s6, $0x1;
	s3 =	sadd.s32 s4, s19  }
0x9c: {  	s7 =	simm.s32 $0x0;
	s20 =	sshll.u32 s5, $0x1;
	s5 =	sadd.s32 s21, s3  }
0x9d: {  	[timem:s7], [sflag:s22] =	dma.local [hbm:s5], s20  }
0x9e: {  	_ =	swait.ge [sflag:s22], s20  }
0x9f: {  	s4 =	ssub.s32 $0x0, s20;
	[sflag:s22] =	ssyncset.done $0x0  }
0xa0: {  	[sflag:s22] =	ssyncadd.s32 s4;
	_ =	sdelay $0x1  }
0xa1: {  	s23 =	simm.s32 $0x1B8B  }
0xa2: {  	_ =	swait.ge [sflag:s23], $0x1  }
0xa3: {  	[sflag:s23] =	ssyncset.done $0x0  }
0xa4: {  	s25 =	simm.s32 $0x1B8E;
	s24 =	sld [smem:$0x3FFE];
	[sflag:s23] =	ssyncadd.s32 $0xFFFFFFFF  }
0xa5: {  	s26 =	simm.s32 $execute0_lowered;
	[smem:$0x3FD2] =	sst s25  }
0xa6: {  	s5 =	sshll.u32 s26, $0x1;
	_ =	strace $0x80000046;
	[dreg:$0x1] =	wrdreg $0xFFFFFFFF  }
0xa7: {  	s28 =	simm.s32 $_size_execute0_lowered;
	s3 =	sadd.s32 s3, s5;
	[dreg:$0x0] =	wrdreg $0x0  }
0xa8: {  	s5 =	sshll.u32 s28, $0x1;
	[dreg:$0x2] =	wrdreg s3  }
0xa9: {  	[dreg:$0x3] =	wrdreg s5  }
0xaa: {  	[dreg:$0x4] =	wrdreg $0xC0  }
0xab: {  	_ =	task [dreg:s7], $0x5FFFF  }
0xac: {  	[dreg:$0x1] =	wrdreg $0xFFFFFFFF  }
0xad: {  	[dreg:$0x0] =	wrdreg $0x60  }
0xae: {  	[dreg:$0x2] =	wrdreg s24  }
0xaf: {  	[dreg:$0x3] =	wrdreg s2  }
0xb0: {  	[dreg:$0x4] =	wrdreg $0x9  }
0xb1: {  	_ =	task.clear_ibuf [dreg:s7], $0x5FFFF;
	_ =	strace $0x90000046  }
0xb2: {  	s29 =	simm.s32 $0x9;
	_ =	strace $0x80000048  }
0xb3: {  	_ =	swait.ge [sflag:s29], $0x1  }
0xb4: {  	[sflag:s29] =	ssyncadd.s32 $0xFFFFFFFF  }
0xb5: {  	_ =	strace $0x90000048  }
0xb6: {  	_ =	sfence  }
0xb7: {  	s30 =	sld [smem:$0x0];
	_ =	sdelay $0x2  }
0xb8: {  	s31 =	sshll.u32 s1, $0xD;
	s1 =	sshrl.u32 s1, $0x2  }
0xb9: {  	s3 =	sand.u32 $0x4000, s31;
	s1 =	sadd.s32 s1, s30  }
0xba: {  	s0 =	sor.u32 s3, s0;
	s1 =	sshll.u32 s1, $0x11  }
0xbb: {  	s0 =	sor.u32 s1, s0  }
0xbc: {  	s0 =	sadd.s32 $0x8F2B, s0  }
0xbd: {  	[sflag:s0] =	ssyncadd.remote.s32 $0x1  }
0xbe: {  	_ =	sfence.sel $0xFFFF  }
0xbf: {  	[dreg:$0x0] =	wrdreg $0xFFFFFFFF;
	(pc) =	sbr.abs _section_cstart, $3  }
0xc0: {  	[dreg:$0x1] =	wrdreg $0xFFFFFFFF  }
0xc1: {  	_ =	task.clear_ibuf [dreg:s7], $0x2FFFF;
	_ =	strace $0x9FFFFFFF  }
0xc2: {  	(tm) =	ssettm $0x7FFFFFFF  }
0xc3: {  	_ =	shalt  }
tec
execute0_lowered:
.L_overlay_start_1:
0x0: {  	(tag) =	ssettag $0x1  }
0x1: {  	s4 =	rddreg [dreg:$0x0]  }
0x2: {  	s5 =	rddreg [dreg:$0x1]  }
0x3: {  	s0 =	rddreg [dreg:$0x2]  }
0x4: {  	s2 =	simm.s32 $0x0;
	s3 =	srdreg.scid;
	s1 =	stileid.u32  }
0x5: {  	s11 =	simm.s32 $0x100;
	s12 =	simm.s32 $0x4100;
	s13 =	simm.s32 $0x10100  }
0x6: {  	s14 =	simm.s32 $0x1;
	s15 =	simm.s32 $0x8100;
	s16 =	simm.s32 $0x2  }
0x7: {  	s17 =	simm.s32 $0xC100;
	s18 =	simm.s32 $0x3;
	s19 =	simm.s32 $0x0  }
0x8: {  	[smem:$0x7FF] =	sst s2;
	s6 =	sand.u32 $0x1, s3;
	s7 =	sshll.u32 s1, $0x1  }
0x9: {  	s3 =	sadd.s32 $0x800, s4;
	_ =	strace $0x80000047;
	s7 =	sor.u32 s6, s7  }
0xa: {  	s6 =	ssub.s32 $0x2, s6;
	s8 =	sshll.u32 s7, $0x5;
	s9 =	sshll.u32 s7, $0xC  }
0xb: {  	s30 =	sshrl.u32 s6, $0x1;
	s31 =	sshll.u32 s7, $0xA;
	s8 =	sadd.s32 s8, s4  }
0xc: {  	s9 =	sadd.s32 s9, s4;
	s10 =	ssub.s32 s6, s30;
	s4 =	sadd.s32 $0x400, s8  }
0xd: {  	s5 =	sadd.s32 s5, s31;
	s6 =	sadd.s32 $0xF42C00, s9;
	s7 =	sadd.s32 $0xF43400, s9  }
0xe: {  	s8 =	smax.u32 s10, $0x1;
	s9 =	simm.s32 $0x4;
	s10 =	simm.s32 $0x80  }
.LBB2_1:
0xf: {  	[tilespmem:s2], [sflag:$0x4] =	stream.linear.gather [hbm4b:s4+s2], $0x100, $0x38;
	[tilespmem:$0x12100] =	vst v63  }
0x10: {  	_ =	swait.ge [sflag:s9], $0x100  }
0x11: {  	[sflag:s9] =	ssyncset.done $0x0  }
0x12: {  	[sflag:s9] =	ssyncadd.s32 $0xFFFFFF00  }
0x13: {  	[tilespmem:s11], [sflag:$0x1] =	stream.indirect.gather [hbm4b:s3+s10], $0x80, s2, s10, $0xb8;
	[tilespmem:$0x12100] =	vst v63  }
0x14: {  	_ = 	snop  }
0x15: {  	[tilespmem:s12], [sflag:$0x2] =	stream.indirect.gather [hbm4b:s3+s10], $0x80, s10, s10, $0xb8;
	[tilespmem:$0x12100] =	vst v63  }
0x16: {  	_ = 	snop  }
0x17: {  	[tilespmem:s13], [sflag:$0x4] =	stream.linear.gather [hbm4b:s5+s2], $0x2000, $0x38;
	[tilespmem:$0x12100] =	vst v63  }
0x18: {  	_ =	swait.ge [sflag:s9], $0x2000  }
0x19: {  	[sflag:s9] =	ssyncset.done $0x0  }
0x1a: {  	[sflag:s9] =	ssyncadd.s32 $0xFFFFE000  }
0x1b: {  	_ =	swait.ge [sflag:s14], $0x4000  }
0x1c: {  	[sflag:s14] =	ssyncset.done $0x0  }
0x1d: {  	s20 =	simm.s32 $0x0;
	[sflag:s14] =	ssyncadd.s32 $0xFFFFC000  }
0x1e: {  	v0 =	vld [tilespmem:s20+$0x210]  }
0x1f: {  	v2 =	vld [tilespmem:s20+$0x100]  }
0x20: {  	v5 =	vld [tilespmem:s20+$0x2B0]  }
0x21: {  	v1 =	vld [tilespmem:s20+$0x190]  }
0x22: {  	v4 =	vld [tilespmem:s20+$0x280]  }
0x23: {  	v6 =	vld [tilespmem:s20+$0x2A0]  }
0x24: {  	v7 =	vld [tilespmem:s20+$0x230]  }
0x25: {  	v8 =	vld [tilespmem:s20+$0x290]  }
0x26: {  	v11 =	vld [tilespmem:s20+$0x120]  }
0x27: {  	s21 =	simm.s32 $0x10120;
	v3 =	vld [tilespmem:s20+$0x110]  }
0x28: {  	v14 =	vld [tilespmem:s21+$0x0]  }
0x29: {  	v13 =	vld [tilespmem:s21+$0xFFFFFFF0]  }
0x2a: {  	v9 =	vld [tilespmem:s20+$0x1A0]  }
0x2b: {  	v15 =	vld [tilespmem:s20+$0x180];
	v11 =	vmul.f32 $8.000000000e+00, v11  }
0x2c: {  	v17 =	vld [tilespmem:s20+$0x200];
	v0 =	vmul.f32 $8.000000000e+00, v0  }
0x2d: {  	v18 =	vld [tilespmem:s21+$0xFFFFFFE0];
	v3 =	vmul.f32 $8.000000000e+00, v3;
	v11 =	vadd.f32 v11, v14  }
0x2e: {  	v12 =	vld [tilespmem:s20+$0x1B0];
	v1 =	vmul.f32 $8.000000000e+00, v1;
	v0 =	vadd.f32 v0, v13  }
0x2f: {  	v16 =	vld [tilespmem:s21+$0x10];
	v3 =	vadd.f32 v3, v13;
	[tilespmem:s20+$0x8120] =	vst v11  }
0x30: {  	v10 =	vld [tilespmem:s20+$0x130];
	s21 =	simm.s32 $0x200;
	[tilespmem:s20+$0x8210] =	vst v0;
	v0 =	vmul.f32 $8.000000000e+00, v15;
	v11 =	vadd.f32 v1, v13  }
0x31: {  	v2 =	vmul.f32 $8.000000000e+00, v2;
	v20 =	vld [tilespmem:s21+$0x210];
	[tilespmem:s20+$0x8110] =	vst v3  }
0x32: {  	v1 =	vld [tilespmem:s21+$0x100];
	v3 =	vadd.f32 v0, v18;
	[tilespmem:s20+$0x8190] =	vst v11;
	v11 =	vmul.f32 $8.000000000e+00, v17  }
0x33: {  	v19 =	vld [tilespmem:s20+$0x220];
	v2 =	vadd.f32 v2, v18;
	v15 =	vmul.f32 $8.000000000e+00, v4  }
0x34: {  	v12 =	vmul.f32 $8.000000000e+00, v12;
	v0 =	vld [tilespmem:s21+$0x2B0];
	[tilespmem:s20+$0x8180] =	vst v3;
	v11 =	vadd.f32 v11, v18  }
0x35: {  	v15 =	vadd.f32 v15, v18;
	v3 =	vld [tilespmem:s21+$0x190];
	[tilespmem:s20+$0x8100] =	vst v2  }
0x36: {  	v63 =	vmul.f32 $8.000000000e+00, v8;
	v12 =	vadd.f32 v12, v16;
	v4 =	vld [tilespmem:s21+$0x280];
	[tilespmem:s20+$0x8200] =	vst v11;
	v11 =	vmul.f32 $8.000000000e+00, v7  }
0x37: {  	v6 =	vmul.f32 $8.000000000e+00, v6;
	v2 =	vld [tilespmem:s21+$0x2A0];
	[tilespmem:s20+$0x8280] =	vst v15;
	v15 =	vmul.f32 $8.000000000e+00, v5  }
0x38: {  	v7 =	vld [tilespmem:s21+$0x230];
	v11 =	vadd.f32 v11, v16;
	[tilespmem:s20+$0x81B0] =	vst v12;
	v12 =	vmul.f32 $8.000000000e+00, v9;
	v9 =	vmul.f32 $8.000000000e+00, v10  }
0x39: {  	v8 =	vadd.f32 v6, v14;
	v6 =	vmul.f32 $8.000000000e+00, v19;
	v17 =	vadd.f32 v63, v13  }
0x3a: {  	v5 =	vld [tilespmem:s21+$0x290];
	v10 =	vadd.f32 v15, v16;
	[tilespmem:s20+$0x8230] =	vst v11;
	v11 =	vadd.f32 v9, v16  }
0x3b: {  	s23 =	simm.s32 $0x1000;
	s24 =	simm.s32 $0x101A0;
	s22 =	simm.s32 $0x101A0;
	v13 =	vadd.f32 v12, v14;
	v12 =	vadd.f32 v6, v14;
	v6 =	vmul.f32 $8.000000000e+00, v20;
	v9 =	vld [tilespmem:s21+$0x110];
	[tilespmem:s20+$0x8290] =	vst v17  }
.LBB2_2:
0x3c: {  	p0 =	sne.s32 s23, $0xF800  }
0x3d: {  	v14 =	vld [tilespmem:s21+$0x1A0];
	s24 =	sadd.s32 $0x80, s24;
	[tilespmem:s20+$0x8130] =	vst v11;
	s25 =	smov.u32 s23;
	s23 =	sadd.s32 $0x800, s23  }
0x3e: {  	v11 =	vld [tilespmem:s21+$0x130];
	[tilespmem:s20+$0x82A0] =	vst v8  }
0x3f: {  	v8 =	vld [tilespmem:s21+$0x120];
	[tilespmem:s20+$0x81A0] =	vst v13  }
0x40: {  	v0 =	vmul.f32 $8.000000000e+00, v0;
	v7 =	vmul.f32 $8.000000000e+00, v7;
	v13 =	vld [tilespmem:s21+$0x1B0];
	[tilespmem:s20+$0x82B0] =	vst v10  }
0x41: {  	v10 =	vld [tilespmem:s21+$0x180];
	[tilespmem:s20+$0x8220] =	vst v12;
	s20 =	smov.u32 s21  }
0x42: {  	v15 =	vmul.f32 $8.000000000e+00, v1;
	v12 =	vld [tilespmem:s22+$0x0]  }
0x43: {  	v4 =	vmul.f32 $8.000000000e+00, v4;
	v1 =	vld [tilespmem:s22+$0xFFFFFFF0]  }
0x44: {  	v14 =	vmul.f32 $8.000000000e+00, v14;
	v16 =	vld [tilespmem:s22+$0x10]  }
0x45: {  	v8 =	vmul.f32 $8.000000000e+00, v8;
	v17 =	vmul.f32 $8.000000000e+00, v13;
	v13 =	vld [tilespmem:s20+$0x200]  }
0x46: {  	v2 =	vmul.f32 $8.000000000e+00, v2;
	v5 =	vmul.f32 $8.000000000e+00, v5;
	v18 =	vld [tilespmem:s22+$0xFFFFFFE0];
	s22 =	smov.u32 s24  }
0x47: {  	v9 =	vmul.f32 $8.000000000e+00, v9;
	v11 =	vmul.f32 $8.000000000e+00, v11;
	v19 =	vadd.f32 v8, v12;
	v20 =	vld [tilespmem:s20+$0x220]  }
0x48: {  	v3 =	vmul.f32 $8.000000000e+00, v3;
	v8 =	vadd.f32 v2, v12;
	v6 =	vadd.f32 v6, v1  }
0x49: {  	v2 =	vadd.f32 v9, v1;
	v9 =	vmul.f32 $8.000000000e+00, v10;
	[tilespmem:s20+$0x8120] =	vst v19;
	v11 =	vadd.f32 v11, v16  }
0x4a: {  	s21 =	sshra.s32 s25, $0x2;
	v3 =	vadd.f32 v3, v1;
	v19 =	vadd.f32 v5, v1;
	[tilespmem:s20+$0x8210] =	vst v6  }
0x4b: {  	v6 =	vmul.f32 $8.000000000e+00, v13;
	v5 =	vld [tilespmem:s21+$0x210];
	[tilespmem:s20+$0x8110] =	vst v2;
	v2 =	vadd.f32 v9, v18;
	v9 =	vadd.f32 v7, v16  }
0x4c: {  	v10 =	vadd.f32 v0, v16;
	v7 =	vadd.f32 v15, v18;
	v1 =	vld [tilespmem:s21+$0x100];
	[tilespmem:s20+$0x8190] =	vst v3  }
0x4d: {  	v15 =	vadd.f32 v4, v18;
	v0 =	vld [tilespmem:s21+$0x2B0];
	[tilespmem:s20+$0x8180] =	vst v2;
	v2 =	vadd.f32 v6, v18;
	v6 =	vmul.f32 $8.000000000e+00, v20  }
0x4e: {  	v13 =	vadd.f32 v14, v12;
	v14 =	vadd.f32 v17, v16;
	v3 =	vld [tilespmem:s21+$0x190];
	[tilespmem:s20+$0x8100] =	vst v7  }
.Ltmp0:
0x4f: {  	v4 =	vld [tilespmem:s21+$0x280];
	[tilespmem:s20+$0x8200] =	vst v2;
	v12 =	vadd.f32 v6, v12;
	(pc) =	sbr.rel @p0 .LBB2_2-.Ltmp0, $4  }
0x50: {  	v6 =	vmul.f32 $8.000000000e+00, v5;
	v2 =	vld [tilespmem:s21+$0x2A0];
	[tilespmem:s20+$0x8280] =	vst v15  }
0x51: {  	v7 =	vld [tilespmem:s21+$0x230];
	[tilespmem:s20+$0x81B0] =	vst v14  }
0x52: {  	v5 =	vld [tilespmem:s21+$0x290];
	[tilespmem:s20+$0x8230] =	vst v9  }
0x53: {  	v9 =	vld [tilespmem:s21+$0x110];
	[tilespmem:s20+$0x8290] =	vst v19  }
0x54: {  	v14 =	vld [tilespmem:s21+$0x1A0];
	[tilespmem:s20+$0x8130] =	vst v11  }
0x55: {  	v11 =	vld [tilespmem:s21+$0x130];
	[tilespmem:s20+$0x82A0] =	vst v8  }
0x56: {  	v8 =	vld [tilespmem:s21+$0x120];
	[tilespmem:s20+$0x81A0] =	vst v13  }
0x57: {  	v13 =	vld [tilespmem:s21+$0x1B0];
	[tilespmem:s20+$0x82B0] =	vst v10  }
0x58: {  	v10 =	vld [tilespmem:s21+$0x180];
	[tilespmem:s20+$0x8220] =	vst v12  }
0x59: {  	v12 =	vld [tilespmem:s22+$0x0]  }
0x5a: {  	v15 =	vld [tilespmem:s22+$0xFFFFFFF0];
	_ =	sdelay $0x1  }
0x5b: {  	v8 =	vmul.f32 $8.000000000e+00, v8  }
0x5c: {  	v17 =	vld [tilespmem:s22+$0xFFFFFFE0]  }
0x5d: {  	v9 =	vmul.f32 $8.000000000e+00, v9;
	v8 =	vadd.f32 v8, v12  }
0x5e: {  	v3 =	vmul.f32 $8.000000000e+00, v3;
	v6 =	vadd.f32 v6, v15  }
0x5f: {  	v1 =	vmul.f32 $8.000000000e+00, v1;
	v18 =	vld [tilespmem:s22+$0x10];
	v9 =	vadd.f32 v9, v15;
	[tilespmem:s21+$0x8120] =	vst v8  }
0x60: {  	v4 =	vmul.f32 $8.000000000e+00, v4;
	v3 =	vadd.f32 v3, v15;
	[tilespmem:s21+$0x8210] =	vst v6  }
0x61: {  	v2 =	vmul.f32 $8.000000000e+00, v2;
	v16 =	vld [tilespmem:s21+$0x200];
	v1 =	vadd.f32 v1, v17;
	[tilespmem:s21+$0x8110] =	vst v9  }
0x62: {  	v0 =	vmul.f32 $8.000000000e+00, v0;
	v4 =	vadd.f32 v4, v17;
	[tilespmem:s21+$0x8190] =	vst v3  }
0x63: {  	v2 =	vadd.f32 v2, v12;
	v8 =	vmul.f32 $8.000000000e+00, v10;
	[tilespmem:s21+$0x8100] =	vst v1  }
0x64: {  	v0 =	vadd.f32 v0, v18;
	v3 =	vmul.f32 $8.000000000e+00, v13;
	[tilespmem:s21+$0x8280] =	vst v4  }
0x65: {  	v19 =	vld [tilespmem:s21+$0x220];
	v1 =	vmul.f32 $8.000000000e+00, v5;
	[tilespmem:s21+$0x82A0] =	vst v2;
	v6 =	vadd.f32 v8, v17  }
0x66: {  	[tilespmem:s21+$0x82B0] =	vst v0;
	v8 =	vmul.f32 $8.000000000e+00, v16;
	v3 =	vadd.f32 v3, v18  }
0x67: {  	v5 =	vmul.f32 $8.000000000e+00, v11;
	v1 =	vadd.f32 v1, v15;
	[tilespmem:s21+$0x8180] =	vst v6  }
0x68: {  	v7 =	vmul.f32 $8.000000000e+00, v7;
	v6 =	vadd.f32 v8, v17;
	[tilespmem:s21+$0x81B0] =	vst v3  }
0x69: {  	v4 =	vadd.f32 v5, v18;
	v3 =	vmul.f32 $8.000000000e+00, v14;
	[tilespmem:s21+$0x8290] =	vst v1  }
0x6a: {  	v1 =	vmul.f32 $8.000000000e+00, v19;
	[tilespmem:s21+$0x8200] =	vst v6;
	v6 =	vadd.f32 v7, v18  }
0x6b: {  	[tilespmem:s21+$0x8130] =	vst v4;
	v3 =	vadd.f32 v3, v12  }
0x6c: {  	v1 =	vadd.f32 v1, v12;
	[tilespmem:s21+$0x8230] =	vst v6  }
0x6d: {  	[tilespmem:s21+$0x81A0] =	vst v3  }
0x6e: {  	s30 =	simm.s32 $0x0;
	[tilespmem:s21+$0x8220] =	vst v1  }
0x6f: {  	[hbm4b:s6+s30] =	stream.linear.scatter [tilespmem:s15], [sflag:$0x3], $0x4000, $0x38;
	[tilespmem:$0x12100] =	vst v63  }
0x70: {  	_ =	swait.ge [sflag:s16], $0x4000  }
0x71: {  	[sflag:s16] =	ssyncset.done $0x0  }
0x72: {  	s20 =	simm.s32 $0x0;
	[sflag:s16] =	ssyncadd.s32 $0xFFFFC000  }
0x73: {  	v0 =	vld [tilespmem:s20+$0x4210]  }
0x74: {  	v2 =	vld [tilespmem:s20+$0x4100]  }
0x75: {  	v5 =	vld [tilespmem:s20+$0x42B0]  }
0x76: {  	v1 =	vld [tilespmem:s20+$0x4190]  }
0x77: {  	v4 =	vld [tilespmem:s20+$0x4280]  }
0x78: {  	v6 =	vld [tilespmem:s20+$0x42A0]  }
0x79: {  	v7 =	vld [tilespmem:s20+$0x4230]  }
0x7a: {  	v8 =	vld [tilespmem:s20+$0x4290]  }
0x7b: {  	v11 =	vld [tilespmem:s20+$0x4120]  }
0x7c: {  	s31 =	simm.s32 $0x11130;
	v3 =	vld [tilespmem:s20+$0x4110]  }
0x7d: {  	v14 =	vld [tilespmem:s31+$0xFFFFFFF0]  }
0x7e: {  	v13 =	vld [tilespmem:s31+$0xFFFFFFE0]  }
0x7f: {  	v9 =	vld [tilespmem:s20+$0x41A0]  }
0x80: {  	v15 =	vld [tilespmem:s20+$0x4180];
	v11 =	vmul.f32 $8.000000000e+00, v11  }
0x81: {  	v60 =	vld [tilespmem:s20+$0x4200];
	v0 =	vmul.f32 $8.000000000e+00, v0  }
0x82: {  	v61 =	vld [tilespmem:s31+$0xFFFFFFD0];
	v3 =	vmul.f32 $8.000000000e+00, v3;
	v11 =	vadd.f32 v11, v14  }
0x83: {  	v12 =	vld [tilespmem:s20+$0x41B0];
	v1 =	vmul.f32 $8.000000000e+00, v1;
	v0 =	vadd.f32 v0, v13  }
0x84: {  	v59 =	vld [tilespmem:s31+$0x0];
	v3 =	vadd.f32 v3, v13;
	[tilespmem:s20+$0xC120] =	vst v11  }
0x85: {  	s21 =	simm.s32 $0x200;
	v10 =	vld [tilespmem:s20+$0x4130];
	[tilespmem:s20+$0xC210] =	vst v0;
	v0 =	vmul.f32 $8.000000000e+00, v15;
	v11 =	vadd.f32 v1, v13  }
0x86: {  	v2 =	vmul.f32 $8.000000000e+00, v2;
	v20 =	vld [tilespmem:s21+$0x4210];
	[tilespmem:s20+$0xC110] =	vst v3  }
0x87: {  	v1 =	vld [tilespmem:s21+$0x4100];
	v3 =	vadd.f32 v0, v61;
	[tilespmem:s20+$0xC190] =	vst v11;
	v11 =	vmul.f32 $8.000000000e+00, v60  }
0x88: {  	v62 =	vld [tilespmem:s20+$0x4220];
	v2 =	vadd.f32 v2, v61;
	v15 =	vmul.f32 $8.000000000e+00, v4  }
0x89: {  	v12 =	vmul.f32 $8.000000000e+00, v12;
	v0 =	vld [tilespmem:s21+$0x42B0];
	[tilespmem:s20+$0xC180] =	vst v3;
	v11 =	vadd.f32 v11, v61  }
0x8a: {  	v15 =	vadd.f32 v15, v61;
	v3 =	vld [tilespmem:s21+$0x4190];
	[tilespmem:s20+$0xC100] =	vst v2  }
0x8b: {  	v63 =	vmul.f32 $8.000000000e+00, v8;
	v12 =	vadd.f32 v12, v59;
	v4 =	vld [tilespmem:s21+$0x4280];
	[tilespmem:s20+$0xC200] =	vst v11;
	v11 =	vmul.f32 $8.000000000e+00, v7  }
0x8c: {  	v6 =	vmul.f32 $8.000000000e+00, v6;
	v2 =	vld [tilespmem:s21+$0x42A0];
	[tilespmem:s20+$0xC280] =	vst v15;
	v15 =	vmul.f32 $8.000000000e+00, v5  }
0x8d: {  	v7 =	vld [tilespmem:s21+$0x4230];
	v11 =	vadd.f32 v11, v59;
	[tilespmem:s20+$0xC1B0] =	vst v12;
	v12 =	vmul.f32 $8.000000000e+00, v9;
	v9 =	vmul.f32 $8.000000000e+00, v10  }
0x8e: {  	v8 =	vadd.f32 v6, v14;
	v17 =	vadd.f32 v63, v13;
	v6 =	vmul.f32 $8.000000000e+00, v62  }
0x8f: {  	v5 =	vld [tilespmem:s21+$0x4290];
	v10 =	vadd.f32 v15, v59;
	[tilespmem:s20+$0xC230] =	vst v11;
	v11 =	vadd.f32 v9, v59  }
0x90: {  	s23 =	simm.s32 $0x1000;
	s24 =	simm.s32 $0x111B0;
	s22 =	simm.s32 $0x111B0;
	v13 =	vadd.f32 v12, v14;
	v12 =	vadd.f32 v6, v14;
	v6 =	vmul.f32 $8.000000000e+00, v20;
	v9 =	vld [tilespmem:s21+$0x4110];
	[tilespmem:s20+$0xC290] =	vst v17  }
.LBB2_4:
0x91: {  	p0 =	sne.s32 s23, $0xF800  }
0x92: {  	v14 =	vld [tilespmem:s21+$0x41A0];
	s24 =	sadd.s32 $0x80, s24;
	[tilespmem:s20+$0xC130] =	vst v11;
	s25 =	smov.u32 s23;
	s23 =	sadd.s32 $0x800, s23  }
0x93: {  	v11 =	vld [tilespmem:s21+$0x4130];
	[tilespmem:s20+$0xC2A0] =	vst v8  }
0x94: {  	v8 =	vld [tilespmem:s21+$0x4120];
	[tilespmem:s20+$0xC1A0] =	vst v13  }
0x95: {  	v0 =	vmul.f32 $8.000000000e+00, v0;
	v7 =	vmul.f32 $8.000000000e+00, v7;
	v13 =	vld [tilespmem:s21+$0x41B0];
	[tilespmem:s20+$0xC2B0] =	vst v10  }
0x96: {  	v10 =	vld [tilespmem:s21+$0x4180];
	[tilespmem:s20+$0xC220] =	vst v12;
	s20 =	smov.u32 s21  }
0x97: {  	v15 =	vmul.f32 $8.000000000e+00, v1;
	v12 =	vld [tilespmem:s22+$0xFFFFFFF0]  }
0x98: {  	v4 =	vmul.f32 $8.000000000e+00, v4;
	v1 =	vld [tilespmem:s22+$0xFFFFFFE0]  }
0x99: {  	v14 =	vmul.f32 $8.000000000e+00, v14;
	v16 =	vld [tilespmem:s22+$0x0]  }
0x9a: {  	v8 =	vmul.f32 $8.000000000e+00, v8;
	v17 =	vmul.f32 $8.000000000e+00, v13;
	v13 =	vld [tilespmem:s20+$0x4200]  }
0x9b: {  	v2 =	vmul.f32 $8.000000000e+00, v2;
	v5 =	vmul.f32 $8.000000000e+00, v5;
	v18 =	vld [tilespmem:s22+$0xFFFFFFD0];
	s22 =	smov.u32 s24  }
0x9c: {  	v9 =	vmul.f32 $8.000000000e+00, v9;
	v11 =	vmul.f32 $8.000000000e+00, v11;
	v19 =	vadd.f32 v8, v12;
	v20 =	vld [tilespmem:s20+$0x4220]  }
0x9d: {  	v3 =	vmul.f32 $8.000000000e+00, v3;
	v8 =	vadd.f32 v2, v12;
	v6 =	vadd.f32 v6, v1  }
0x9e: {  	v2 =	vadd.f32 v9, v1;
	v9 =	vmul.f32 $8.000000000e+00, v10;
	[tilespmem:s20+$0xC120] =	vst v19;
	v11 =	vadd.f32 v11, v16  }
0x9f: {  	s21 =	sshra.s32 s25, $0x2;
	v3 =	vadd.f32 v3, v1;
	v19 =	vadd.f32 v5, v1;
	[tilespmem:s20+$0xC210] =	vst v6  }
0xa0: {  	v6 =	vmul.f32 $8.000000000e+00, v13;
	v5 =	vld [tilespmem:s21+$0x4210];
	[tilespmem:s20+$0xC110] =	vst v2;
	v2 =	vadd.f32 v9, v18;
	v9 =	vadd.f32 v7, v16  }
0xa1: {  	v10 =	vadd.f32 v0, v16;
	v7 =	vadd.f32 v15, v18;
	v1 =	vld [tilespmem:s21+$0x4100];
	[tilespmem:s20+$0xC190] =	vst v3  }
0xa2: {  	v15 =	vadd.f32 v4, v18;
	v0 =	vld [tilespmem:s21+$0x42B0];
	[tilespmem:s20+$0xC180] =	vst v2;
	v2 =	vadd.f32 v6, v18;
	v6 =	vmul.f32 $8.000000000e+00, v20  }
0xa3: {  	v13 =	vadd.f32 v14, v12;
	v14 =	vadd.f32 v17, v16;
	v3 =	vld [tilespmem:s21+$0x4190];
	[tilespmem:s20+$0xC100] =	vst v7  }
.Ltmp1:
0xa4: {  	v4 =	vld [tilespmem:s21+$0x4280];
	[tilespmem:s20+$0xC200] =	vst v2;
	v12 =	vadd.f32 v6, v12;
	(pc) =	sbr.rel @p0 .LBB2_4-.Ltmp1, $4  }
0xa5: {  	v6 =	vmul.f32 $8.000000000e+00, v5;
	v2 =	vld [tilespmem:s21+$0x42A0];
	[tilespmem:s20+$0xC280] =	vst v15  }
0xa6: {  	v7 =	vld [tilespmem:s21+$0x4230];
	[tilespmem:s20+$0xC1B0] =	vst v14  }
0xa7: {  	v5 =	vld [tilespmem:s21+$0x4290];
	[tilespmem:s20+$0xC230] =	vst v9  }
0xa8: {  	v9 =	vld [tilespmem:s21+$0x4110];
	[tilespmem:s20+$0xC290] =	vst v19  }
0xa9: {  	v14 =	vld [tilespmem:s21+$0x41A0];
	[tilespmem:s20+$0xC130] =	vst v11  }
0xaa: {  	v11 =	vld [tilespmem:s21+$0x4130];
	[tilespmem:s20+$0xC2A0] =	vst v8  }
0xab: {  	v8 =	vld [tilespmem:s21+$0x4120];
	[tilespmem:s20+$0xC1A0] =	vst v13  }
0xac: {  	v13 =	vld [tilespmem:s21+$0x41B0];
	[tilespmem:s20+$0xC2B0] =	vst v10  }
0xad: {  	v10 =	vld [tilespmem:s21+$0x4180];
	[tilespmem:s20+$0xC220] =	vst v12  }
0xae: {  	v12 =	vld [tilespmem:s22+$0xFFFFFFF0]  }
0xaf: {  	v15 =	vld [tilespmem:s22+$0xFFFFFFE0];
	_ =	sdelay $0x1  }
0xb0: {  	v8 =	vmul.f32 $8.000000000e+00, v8  }
0xb1: {  	v17 =	vld [tilespmem:s22+$0xFFFFFFD0]  }
0xb2: {  	v9 =	vmul.f32 $8.000000000e+00, v9;
	v8 =	vadd.f32 v8, v12  }
0xb3: {  	v3 =	vmul.f32 $8.000000000e+00, v3;
	v18 =	vld [tilespmem:s22+$0x0];
	v6 =	vadd.f32 v6, v15  }
0xb4: {  	v1 =	vmul.f32 $8.000000000e+00, v1;
	v9 =	vadd.f32 v9, v15;
	[tilespmem:s21+$0xC120] =	vst v8  }
0xb5: {  	v4 =	vmul.f32 $8.000000000e+00, v4;
	v3 =	vadd.f32 v3, v15;
	[tilespmem:s21+$0xC210] =	vst v6  }
0xb6: {  	v7 =	vmul.f32 $8.000000000e+00, v7;
	v16 =	vld [tilespmem:s21+$0x4200];
	v1 =	vadd.f32 v1, v17;
	[tilespmem:s21+$0xC110] =	vst v9  }
0xb7: {  	v59 =	vmul.f32 $8.000000000e+00, v11;
	v4 =	vadd.f32 v4, v17;
	[tilespmem:s21+$0xC190] =	vst v3  }
0xb8: {  	v2 =	vmul.f32 $8.000000000e+00, v2;
	v60 =	vadd.f32 v7, v18;
	[tilespmem:s21+$0xC100] =	vst v1  }
0xb9: {  	v0 =	vmul.f32 $8.000000000e+00, v0;
	v62 =	vadd.f32 v59, v18;
	[tilespmem:s21+$0xC280] =	vst v4  }
0xba: {  	v19 =	vld [tilespmem:s21+$0x4220];
	v53 =	vmul.f32 $8.000000000e+00, v10;
	v2 =	vadd.f32 v2, v12;
	[tilespmem:s21+$0xC230] =	vst v60  }
0xbb: {  	v55 =	vmul.f32 $8.000000000e+00, v16;
	v0 =	vadd.f32 v0, v18;
	[tilespmem:s21+$0xC130] =	vst v62  }
0xbc: {  	v56 =	vmul.f32 $8.000000000e+00, v13;
	v54 =	vadd.f32 v53, v17;
	[tilespmem:s21+$0xC2A0] =	vst v2  }
0xbd: {  	v58 =	vmul.f32 $8.000000000e+00, v5;
	v57 =	vadd.f32 v55, v17;
	[tilespmem:s21+$0xC2B0] =	vst v0  }
0xbe: {  	v61 =	vmul.f32 $8.000000000e+00, v14;
	v3 =	vadd.f32 v56, v18;
	[tilespmem:s21+$0xC180] =	vst v54  }
0xbf: {  	v63 =	vmul.f32 $8.000000000e+00, v19;
	v1 =	vadd.f32 v58, v15;
	[tilespmem:s21+$0xC200] =	vst v57  }
0xc0: {  	[tilespmem:s21+$0xC1B0] =	vst v3;
	v3 =	vadd.f32 v61, v12  }
0xc1: {  	[tilespmem:s21+$0xC290] =	vst v1;
	v1 =	vadd.f32 v63, v12  }
0xc2: {  	[tilespmem:s21+$0xC1A0] =	vst v3  }
0xc3: {  	s19 =	sadd.s32 $0x1, s19;
	[tilespmem:s21+$0xC220] =	vst v1  }
0xc4: {  	[hbm4b:s7+s2] =	stream.linear.scatter [tilespmem:s17], [sflag:$0x4], $0x4000, $0x38;
	[tilespmem:$0x12100] =	vst v63  }
0xc5: {  	p0 =	sne.s32 s19, s8;
	_ =	swait.ge [sflag:s9], $0x4000  }
.Ltmp2:
0xc6: {  	[sflag:s9] =	ssyncset.done $0x0;
	(pc) =	sbr.rel @p0 .LBB2_1-.Ltmp2, $4  }
0xc7: {  	[sflag:s9] =	ssyncadd.s32 $0xFFFFC000  }
0xc8: {  	_ =	swait.ge [sflag:s18], $0x4000  }
0xc9: {  	[sflag:s18] =	ssyncset.done $0x0  }
0xca: {  	[sflag:s18] =	ssyncadd.s32 $0xFFFFC000  }
0xcb: {  	_ =	sfence.sel $0x180000  }
0xcc: {  	[bflag:$0x0] =	sbarrier.arrive $0xFFFF  }
0xcd: {  	p0 =	sne.s32 s1, $0x0;
	_ =	strace $0x90000047  }
0xce: {  	s0 =	sadd.s32 @!p0 $0x100000, s0;
	[bflag:$0x2] =	sbarrier.arrive $0xFFFF  }
0xcf: {  	[sflag:s0] =	ssyncadd.tile.s32 @!p0 $0x1;
	_ =	shalt  }
.Lfunc_end2:
_tile_overlayer_lowered:
.L_overlay_start_2:
0xd0: {  	(tag) =	ssettag $0x2  }
0xd1: {  	s0 =	rddreg [dreg:$0x0];
	s2 =	stileid.u32  }
0xd2: {  	s1 =	rddreg [dreg:$0x1];
	p0 =	sne.s32 s2, $0x0  }
0xd3: {  	s3 =	rddreg [dreg:$0x2];
	[bflag:$0x3] =	sbarrier.arrive $0xFFFF;
	s2 =	simm.s32 @!p0 $0x1C04  }
0xd4: {  	[timem:s3], [sflag:s2] =	dma.local @!p0 [hbm:s0], s1  }
0xd5: {  	s0 =	simm.s32 @!p0 $0x4  }
0xd6: {  	_ =	swait.ge @!p0 [sflag:s0], s1  }
0xd7: {  	s1 =	ssub.s32 @!p0 $0x0, s1;
	[sflag:s0] =	ssyncset.done @!p0 $0x0  }
0xd8: {  	[sflag:s0] =	ssyncadd.s32 @!p0 s1  }
0xd9: {  	[bflag:$0x3] =	sbarrier.arrive $0xFFFF  }
0xda: {  	_ =	shalt  }

</sc_bundles>
